<compile_context>
chip_gen: v7x
topology: tpu7x:2x2x1
jax: 0.10.2.dev20260603
libtpu: 0.0.44.dev20260713+nightly
codegen_flags: <defaults>
</compile_context>

<pallas_src>
import functools

import jax
import jax.numpy as jnp
from jax import lax
from jax.experimental import pallas as pl
from jax.experimental.pallas import tpu as pltpu
from jax.experimental.pallas import tpu_sc as plsc

NC = 2
NS = 16
NW = NC * NS


def _pick_chunk(ept: int) -> int:
    for c in range(10000, 7, -8):
        if ept % c == 0 and (ept // c) % 4 == 0:
            return c
    return 8

def _make_push_call(E: int, NPAD: int):
    assert E % NW == 0
    EPT = E // NW
    C = _pick_chunk(EPT)
    NCHUNK = EPT // C
    CHN = NPAD // NS
    assert NPAD % NS == 0 and CHN % 8 == 0

    mesh = plsc.VectorSubcoreMesh(core_axis_name="c", subcore_axis_name="s")

    @functools.partial(
        pl.kernel,
        out_type=jax.ShapeDtypeStruct((NC * NPAD,), jnp.float32),
        mesh=mesh,
        scratch_types=(
            [pltpu.VMEM((C,), jnp.int32)] * 4
            + [pltpu.VMEM((C,), jnp.int32)] * 4
            + [pltpu.VMEM((C,), jnp.float32)] * 2
            + [
                pltpu.VMEM_SHARED((NPAD,), jnp.float32),
                pltpu.VMEM_SHARED((NPAD,), jnp.float32),
                pltpu.VMEM((CHN,), jnp.float32),
            ]
            + [pltpu.SemaphoreType.DMA] * 8
        ),
    )
    def push(src_hbm, tgt_hbm, val_hbm, zero_hbm, out_hbm,
             is0, is1, is2, is3, it0, it1, it2, it3, vals0, vals1,
             accum, vtab, stage,
             si0, si1, si2, si3, sg0, sg1, ss0, ss1):
        idx_s = (is0, is1, is2, is3)
        idx_t = (it0, it1, it2, it3)
        vals = (vals0, vals1)
        sem_i = (si0, si1, si2, si3)
        sem = (sg0, sg1)
        sem_s = (ss0, ss1)
        c = lax.axis_index("c")
        s = lax.axis_index("s")
        wid = c * NS + s

        ebase = wid * EPT

        pltpu.sync_copy(val_hbm.at[pl.ds(s * CHN, CHN)], stage)
        pltpu.sync_copy(stage, vtab.at[pl.ds(s * CHN, CHN)])
        for k in range(4):
            off = ebase + k * C
            pltpu.async_copy(src_hbm.at[pl.ds(off, C)], idx_s[k], sem_i[k])
            pltpu.async_copy(tgt_hbm.at[pl.ds(off, C)], idx_t[k], sem_i[k])
        pltpu.sync_copy(zero_hbm.at[pl.ds(s * CHN, CHN)], stage)
        pltpu.sync_copy(stage, accum.at[pl.ds(s * CHN, CHN)])
        plsc.subcore_barrier()

        @pl.loop(0, NCHUNK, step=4)
        def _(g):
            for half in range(2):
                p = (2 * half, 2 * half + 1)
                gp = g + 2 * half

                for b in range(2):
                    off = ebase + (gp + b) * C
                    pltpu.make_async_copy(src_hbm.at[pl.ds(off, C)],
                                          idx_s[p[b]], sem_i[p[b]]).wait()
                    pltpu.make_async_copy(tgt_hbm.at[pl.ds(off, C)],
                                          idx_t[p[b]], sem_i[p[b]]).wait()
                    pltpu.async_copy(vtab.at[idx_s[p[b]]], vals[b], sem[b])
                for b in range(2):
                    pltpu.make_async_copy(vtab.at[idx_s[p[b]]], vals[b],
                                          sem[b]).wait()
                plsc.subcore_barrier()

                for b in range(2):
                    pltpu.async_copy(vals[b], accum.at[idx_t[p[b]]],
                                     sem_s[b], add=True)
                for b in range(2):
                    pltpu.make_async_copy(vals[b], accum.at[idx_t[p[b]]],
                                          sem_s[b]).wait()

                @pl.when(gp + 4 < NCHUNK)
                def _():
                    for b in range(2):
                        off2 = ebase + (gp + 4 + b) * C
                        pltpu.async_copy(src_hbm.at[pl.ds(off2, C)],
                                         idx_s[p[b]], sem_i[p[b]])
                        pltpu.async_copy(tgt_hbm.at[pl.ds(off2, C)],
                                         idx_t[p[b]], sem_i[p[b]])
                plsc.subcore_barrier()

        plsc.subcore_barrier()
        pltpu.sync_copy(accum.at[pl.ds(s * CHN, CHN)], stage)
        pltpu.sync_copy(stage, out_hbm.at[pl.ds(c * NPAD + s * CHN, CHN)])

    return push


def kernel(source, target, init_vertex, iteration, vertex_num):
    N = init_vertex.shape[0]
    E = source.shape[0]
    NPAD = -(-N // (NS * 8)) * (NS * 8)

    src = source.astype(jnp.int32)
    tgt = target.astype(jnp.int32)

    push = _make_push_call(E, NPAD)

    zeros_pad = jnp.zeros((NPAD,), jnp.float32)
    ones_pad = zeros_pad.at[:N].set(1.0)

    deg_parts = push(src, src, ones_pad, zeros_pad)
    deg = deg_parts[:N] + deg_parts[NPAD:NPAD + N]
    mask = deg == 0.0
    degf = jnp.where(mask, 1.0, deg)

    V0 = init_vertex / jnp.sum(init_vertex)

    def cond_fun(carry):
        r, V_old, done = carry
        return jnp.logical_and(r < iteration, jnp.logical_not(done))

    def body_fun(carry):
        r, V_old, done = carry
        vtemp = jnp.where(mask, 0.0, V_old / degf)
        blind_sum = jnp.sum(jnp.where(mask, V_old, 0.0))
        vtemp_pad = jnp.concatenate([vtemp, jnp.zeros((NPAD - N,), jnp.float32)])
        parts = push(src, tgt, vtemp_pad, zeros_pad)
        V_new = parts[:N] + parts[NPAD:NPAD + N]
        V_new = V_new * 0.85 + (0.15 + blind_sum * 0.85) / vertex_num
        diff = jnp.sum(jnp.abs(V_new - V_old))
        return (r + 1, V_new, diff < 1e-07)

    carry = (jnp.int32(0), V0, jnp.bool_(False))
    _, V_out, _ = lax.while_loop(cond_fun, body_fun, carry)
    return V_out

# --- scband reference (transcript-rebuilt; emitter-appended) ---
"""Pipeline reference for scband-page-rank-cpu-47519518163098 (READ-ONLY COPY).

The authoritative reference and input builder live on the scoring server;
editing this copy changes nothing except your own understanding.
"""

import jax, jax.numpy as jnp
import numpy as np

N = 100000
E = 6400000

def setup_inputs(seed: int = 0) -> dict:
    key = jax.random.key(seed)
    k1, k2, k3 = jax.random.split(key, 3)
    source = jax.random.randint(k1, (E,), 0, N)
    target = jax.random.randint(k2, (E,), 0, N)
    init_vertex = jax.random.uniform(k3, (N,), dtype=jnp.float32)
    return {"source": source, "target": target, "init_vertex": init_vertex, "iteration": 20, "vertex_num": N}

def reference(source, target, init_vertex, iteration, vertex_num):
    source = source.astype(jnp.int32)
    target = target.astype(jnp.int32)
    V_out_deg = jnp.zeros(init_vertex.shape, dtype=jnp.int32).at[source].add(jnp.ones_like(source, dtype=jnp.int32))
    mask = V_out_deg == 0
    V_old = init_vertex
    s = jnp.sum(V_old)
    V_old = V_old / s

    def cond_fun(carry):
        r, V_old, done = carry
        return jnp.logical_and(r < iteration, jnp.logical_not(done))

    def body_fun(carry):
        r, V_old, done = carry
        V_old_temp = V_old / V_out_deg
        blind_sum = jnp.sum(jnp.where(mask, V_old, jnp.zeros_like(V_old)))
        V_new = jnp.zeros_like(init_vertex).at[target].add(V_old_temp[source])
        V_new = V_new * 0.85 + (0.15 + blind_sum * 0.85) / vertex_num
        diff = jnp.sum(jnp.abs(V_new - V_old))
        return (r + 1, V_new, diff < 1e-07)

    carry = (jnp.int32(0), V_old, jnp.bool_(False))
    _, V_old, _ = jax.lax.while_loop(cond_fun, body_fun, carry)
    return V_old

if __name__ == "__main__":
    import jax
    _d = setup_inputs()
    print(jax.jit(kernel)(*tuple(_d.values())))

</pallas_src>

<mosaic_0001>
#map = affine_map<(d0, d1) -> (0)>
module attributes {stable_mosaic.version = 14 : i64} {
  func.func @push(%arg0: i32, %arg1: i32, %arg2: memref<6400000xi32, #tpu.memory_space<hbm>>, %arg3: memref<6400000xi32, #tpu.memory_space<hbm>>, %arg4: memref<100096xf32, #tpu.memory_space<hbm>>, %arg5: memref<100096xf32, #tpu.memory_space<hbm>>, %arg6: memref<200192xf32, #tpu.memory_space<hbm>>, %arg7: memref<10000xi32, #tpu.memory_space<vmem>>, %arg8: memref<10000xi32, #tpu.memory_space<vmem>>, %arg9: memref<10000xi32, #tpu.memory_space<vmem>>, %arg10: memref<10000xi32, #tpu.memory_space<vmem>>, %arg11: memref<10000xi32, #tpu.memory_space<vmem>>, %arg12: memref<10000xi32, #tpu.memory_space<vmem>>, %arg13: memref<10000xi32, #tpu.memory_space<vmem>>, %arg14: memref<10000xi32, #tpu.memory_space<vmem>>, %arg15: memref<10000xf32, #tpu.memory_space<vmem>>, %arg16: memref<10000xf32, #tpu.memory_space<vmem>>, %arg17: memref<100096xf32, #tpu.memory_space<vmem_shared>>, %arg18: memref<100096xf32, #tpu.memory_space<vmem_shared>>, %arg19: memref<6256xf32, #tpu.memory_space<vmem>>, %arg20: memref<!tpu.dma_semaphore, #tpu.memory_space<semaphore_mem>>, %arg21: memref<!tpu.dma_semaphore, #tpu.memory_space<semaphore_mem>>, %arg22: memref<!tpu.dma_semaphore, #tpu.memory_space<semaphore_mem>>, %arg23: memref<!tpu.dma_semaphore, #tpu.memory_space<semaphore_mem>>, %arg24: memref<!tpu.dma_semaphore, #tpu.memory_space<semaphore_mem>>, %arg25: memref<!tpu.dma_semaphore, #tpu.memory_space<semaphore_mem>>, %arg26: memref<!tpu.dma_semaphore, #tpu.memory_space<semaphore_mem>>, %arg27: memref<!tpu.dma_semaphore, #tpu.memory_space<semaphore_mem>>) attributes {dimension_semantics = [#tpu.dimension_semantics<core_parallel>, #tpu.dimension_semantics<subcore_parallel>], iteration_bounds = array<i64: 2, 16>, scalar_prefetch = 0 : i64, scratch_operands = 21 : i64, tpu.core_type = #tpu.core_type<sc_vector_subcore>, window_params = [{transform_indices = #map}, {transform_indices = #map}, {transform_indices = #map}, {transform_indices = #map}, {transform_indices = #map}]} {
    %mul3A = arith.constant 16 : i32
    %mul3A_0 = arith.muli %arg0, %mul3A : i32
    %add3A = arith.addi %mul3A_0, %arg1 : i32
    %mul3A_1 = arith.constant 200000 : i32
    %mul3A_2 = arith.muli %add3A, %mul3A_1 : i32
    %mul3A_3 = arith.constant 6256 : i32
    %mul3A_4 = arith.muli %arg1, %mul3A_3 : i32
    "tpu.region"() ({
      %run_scoped3A = tpu.sem_alloc : memref<!tpu.dma_semaphore, #tpu.memory_space<semaphore_mem>>
      %dma_start3A_46 = tpu.memref_slice %arg4[%mul3A_4] : memref<100096xf32, #tpu.memory_space<hbm>> -> memref<6256xf32, #tpu.memory_space<hbm>>
      %dma_start3A_47 = tpu.memref_slice %arg4[%mul3A_4] : memref<100096xf32, #tpu.memory_space<hbm>> -> memref<6256xf32, #tpu.memory_space<hbm>>
      tpu.enqueue_dma source(%dma_start3A_47 : memref<6256xf32, #tpu.memory_space<hbm>>) target(%arg19 : memref<6256xf32, #tpu.memory_space<vmem>>) target_semaphore(%run_scoped3A : memref<!tpu.dma_semaphore, #tpu.memory_space<semaphore_mem>>)
      %dma_wait3A = tpu.memref_slice %arg4[%mul3A_4] : memref<100096xf32, #tpu.memory_space<hbm>> -> memref<6256xf32, #tpu.memory_space<hbm>>
      %dma_wait3A_48 = tpu.memref_slice %arg4[%mul3A_4] : memref<100096xf32, #tpu.memory_space<hbm>> -> memref<6256xf32, #tpu.memory_space<hbm>>
      tpu.wait_dma2 semaphore(%run_scoped3A : memref<!tpu.dma_semaphore, #tpu.memory_space<semaphore_mem>>) src(%dma_wait3A_48 : memref<6256xf32, #tpu.memory_space<hbm>>) dst(%arg19 : memref<6256xf32, #tpu.memory_space<vmem>>)
      tpu.yield
    }) : () -> ()
    %mul3A_5 = arith.constant 6256 : i32
    %mul3A_6 = arith.muli %arg1, %mul3A_5 : i32
    "tpu.region"() ({
      %run_scoped3A = tpu.sem_alloc : memref<!tpu.dma_semaphore, #tpu.memory_space<semaphore_mem>>
      %dma_start3A_46 = tpu.memref_slice %arg18[%mul3A_6] : memref<100096xf32, #tpu.memory_space<vmem_shared>> -> memref<6256xf32, #tpu.memory_space<vmem_shared>>
      %dma_start3A_47 = tpu.memref_slice %arg18[%mul3A_6] : memref<100096xf32, #tpu.memory_space<vmem_shared>> -> memref<6256xf32, #tpu.memory_space<vmem_shared>>
      tpu.enqueue_dma source(%arg19 : memref<6256xf32, #tpu.memory_space<vmem>>) target(%dma_start3A_47 : memref<6256xf32, #tpu.memory_space<vmem_shared>>) target_semaphore(%run_scoped3A : memref<!tpu.dma_semaphore, #tpu.memory_space<semaphore_mem>>)
      %dma_wait3A = tpu.memref_slice %arg18[%mul3A_6] : memref<100096xf32, #tpu.memory_space<vmem_shared>> -> memref<6256xf32, #tpu.memory_space<vmem_shared>>
      %dma_wait3A_48 = tpu.memref_slice %arg18[%mul3A_6] : memref<100096xf32, #tpu.memory_space<vmem_shared>> -> memref<6256xf32, #tpu.memory_space<vmem_shared>>
      tpu.wait_dma2 semaphore(%run_scoped3A : memref<!tpu.dma_semaphore, #tpu.memory_space<semaphore_mem>>) src(%arg19 : memref<6256xf32, #tpu.memory_space<vmem>>) dst(%dma_wait3A_48 : memref<6256xf32, #tpu.memory_space<vmem_shared>>)
      tpu.yield
    }) : () -> ()
    %add3A_7 = arith.constant 0 : i32
    %add3A_8 = arith.addi %mul3A_2, %add3A_7 : i32
    %dma_start3A = tpu.memref_slice %arg2[%add3A_8] : memref<6400000xi32, #tpu.memory_space<hbm>> -> memref<10000xi32, #tpu.memory_space<hbm>>
    %dma_start3A_9 = tpu.memref_slice %arg2[%add3A_8] : memref<6400000xi32, #tpu.memory_space<hbm>> -> memref<10000xi32, #tpu.memory_space<hbm>>
    tpu.enqueue_dma source(%dma_start3A_9 : memref<10000xi32, #tpu.memory_space<hbm>>) target(%arg7 : memref<10000xi32, #tpu.memory_space<vmem>>) target_semaphore(%arg20 : memref<!tpu.dma_semaphore, #tpu.memory_space<semaphore_mem>>)
    %dma_start3A_10 = tpu.memref_slice %arg3[%add3A_8] : memref<6400000xi32, #tpu.memory_space<hbm>> -> memref<10000xi32, #tpu.memory_space<hbm>>
    %dma_start3A_11 = tpu.memref_slice %arg3[%add3A_8] : memref<6400000xi32, #tpu.memory_space<hbm>> -> memref<10000xi32, #tpu.memory_space<hbm>>
    tpu.enqueue_dma source(%dma_start3A_11 : memref<10000xi32, #tpu.memory_space<hbm>>) target(%arg11 : memref<10000xi32, #tpu.memory_space<vmem>>) target_semaphore(%arg20 : memref<!tpu.dma_semaphore, #tpu.memory_space<semaphore_mem>>)
    %add3A_12 = arith.constant 10000 : i32
    %add3A_13 = arith.addi %mul3A_2, %add3A_12 : i32
    %dma_start3A_14 = tpu.memref_slice %arg2[%add3A_13] : memref<6400000xi32, #tpu.memory_space<hbm>> -> memref<10000xi32, #tpu.memory_space<hbm>>
    %dma_start3A_15 = tpu.memref_slice %arg2[%add3A_13] : memref<6400000xi32, #tpu.memory_space<hbm>> -> memref<10000xi32, #tpu.memory_space<hbm>>
    tpu.enqueue_dma source(%dma_start3A_15 : memref<10000xi32, #tpu.memory_space<hbm>>) target(%arg8 : memref<10000xi32, #tpu.memory_space<vmem>>) target_semaphore(%arg21 : memref<!tpu.dma_semaphore, #tpu.memory_space<semaphore_mem>>)
    %dma_start3A_16 = tpu.memref_slice %arg3[%add3A_13] : memref<6400000xi32, #tpu.memory_space<hbm>> -> memref<10000xi32, #tpu.memory_space<hbm>>
    %dma_start3A_17 = tpu.memref_slice %arg3[%add3A_13] : memref<6400000xi32, #tpu.memory_space<hbm>> -> memref<10000xi32, #tpu.memory_space<hbm>>
    tpu.enqueue_dma source(%dma_start3A_17 : memref<10000xi32, #tpu.memory_space<hbm>>) target(%arg12 : memref<10000xi32, #tpu.memory_space<vmem>>) target_semaphore(%arg21 : memref<!tpu.dma_semaphore, #tpu.memory_space<semaphore_mem>>)
    %add3A_18 = arith.constant 20000 : i32
    %add3A_19 = arith.addi %mul3A_2, %add3A_18 : i32
    %dma_start3A_20 = tpu.memref_slice %arg2[%add3A_19] : memref<6400000xi32, #tpu.memory_space<hbm>> -> memref<10000xi32, #tpu.memory_space<hbm>>
    %dma_start3A_21 = tpu.memref_slice %arg2[%add3A_19] : memref<6400000xi32, #tpu.memory_space<hbm>> -> memref<10000xi32, #tpu.memory_space<hbm>>
    tpu.enqueue_dma source(%dma_start3A_21 : memref<10000xi32, #tpu.memory_space<hbm>>) target(%arg9 : memref<10000xi32, #tpu.memory_space<vmem>>) target_semaphore(%arg22 : memref<!tpu.dma_semaphore, #tpu.memory_space<semaphore_mem>>)
    %dma_start3A_22 = tpu.memref_slice %arg3[%add3A_19] : memref<6400000xi32, #tpu.memory_space<hbm>> -> memref<10000xi32, #tpu.memory_space<hbm>>
    %dma_start3A_23 = tpu.memref_slice %arg3[%add3A_19] : memref<6400000xi32, #tpu.memory_space<hbm>> -> memref<10000xi32, #tpu.memory_space<hbm>>
    tpu.enqueue_dma source(%dma_start3A_23 : memref<10000xi32, #tpu.memory_space<hbm>>) target(%arg13 : memref<10000xi32, #tpu.memory_space<vmem>>) target_semaphore(%arg22 : memref<!tpu.dma_semaphore, #tpu.memory_space<semaphore_mem>>)
    %add3A_24 = arith.constant 30000 : i32
    %add3A_25 = arith.addi %mul3A_2, %add3A_24 : i32
    %dma_start3A_26 = tpu.memref_slice %arg2[%add3A_25] : memref<6400000xi32, #tpu.memory_space<hbm>> -> memref<10000xi32, #tpu.memory_space<hbm>>
    %dma_start3A_27 = tpu.memref_slice %arg2[%add3A_25] : memref<6400000xi32, #tpu.memory_space<hbm>> -> memref<10000xi32, #tpu.memory_space<hbm>>
    tpu.enqueue_dma source(%dma_start3A_27 : memref<10000xi32, #tpu.memory_space<hbm>>) target(%arg10 : memref<10000xi32, #tpu.memory_space<vmem>>) target_semaphore(%arg23 : memref<!tpu.dma_semaphore, #tpu.memory_space<semaphore_mem>>)
    %dma_start3A_28 = tpu.memref_slice %arg3[%add3A_25] : memref<6400000xi32, #tpu.memory_space<hbm>> -> memref<10000xi32, #tpu.memory_space<hbm>>
    %dma_start3A_29 = tpu.memref_slice %arg3[%add3A_25] : memref<6400000xi32, #tpu.memory_space<hbm>> -> memref<10000xi32, #tpu.memory_space<hbm>>
    tpu.enqueue_dma source(%dma_start3A_29 : memref<10000xi32, #tpu.memory_space<hbm>>) target(%arg14 : memref<10000xi32, #tpu.memory_space<vmem>>) target_semaphore(%arg23 : memref<!tpu.dma_semaphore, #tpu.memory_space<semaphore_mem>>)
    %mul3A_30 = arith.constant 6256 : i32
    %mul3A_31 = arith.muli %arg1, %mul3A_30 : i32
    "tpu.region"() ({
      %run_scoped3A = tpu.sem_alloc : memref<!tpu.dma_semaphore, #tpu.memory_space<semaphore_mem>>
      %dma_start3A_46 = tpu.memref_slice %arg5[%mul3A_31] : memref<100096xf32, #tpu.memory_space<hbm>> -> memref<6256xf32, #tpu.memory_space<hbm>>
      %dma_start3A_47 = tpu.memref_slice %arg5[%mul3A_31] : memref<100096xf32, #tpu.memory_space<hbm>> -> memref<6256xf32, #tpu.memory_space<hbm>>
      tpu.enqueue_dma source(%dma_start3A_47 : memref<6256xf32, #tpu.memory_space<hbm>>) target(%arg19 : memref<6256xf32, #tpu.memory_space<vmem>>) target_semaphore(%run_scoped3A : memref<!tpu.dma_semaphore, #tpu.memory_space<semaphore_mem>>)
      %dma_wait3A = tpu.memref_slice %arg5[%mul3A_31] : memref<100096xf32, #tpu.memory_space<hbm>> -> memref<6256xf32, #tpu.memory_space<hbm>>
      %dma_wait3A_48 = tpu.memref_slice %arg5[%mul3A_31] : memref<100096xf32, #tpu.memory_space<hbm>> -> memref<6256xf32, #tpu.memory_space<hbm>>
      tpu.wait_dma2 semaphore(%run_scoped3A : memref<!tpu.dma_semaphore, #tpu.memory_space<semaphore_mem>>) src(%dma_wait3A_48 : memref<6256xf32, #tpu.memory_space<hbm>>) dst(%arg19 : memref<6256xf32, #tpu.memory_space<vmem>>)
      tpu.yield
    }) : () -> ()
    %mul3A_32 = arith.constant 6256 : i32
    %mul3A_33 = arith.muli %arg1, %mul3A_32 : i32
    "tpu.region"() ({
      %run_scoped3A = tpu.sem_alloc : memref<!tpu.dma_semaphore, #tpu.memory_space<semaphore_mem>>
      %dma_start3A_46 = tpu.memref_slice %arg17[%mul3A_33] : memref<100096xf32, #tpu.memory_space<vmem_shared>> -> memref<6256xf32, #tpu.memory_space<vmem_shared>>
      %dma_start3A_47 = tpu.memref_slice %arg17[%mul3A_33] : memref<100096xf32, #tpu.memory_space<vmem_shared>> -> memref<6256xf32, #tpu.memory_space<vmem_shared>>
      tpu.enqueue_dma source(%arg19 : memref<6256xf32, #tpu.memory_space<vmem>>) target(%dma_start3A_47 : memref<6256xf32, #tpu.memory_space<vmem_shared>>) target_semaphore(%run_scoped3A : memref<!tpu.dma_semaphore, #tpu.memory_space<semaphore_mem>>)
      %dma_wait3A = tpu.memref_slice %arg17[%mul3A_33] : memref<100096xf32, #tpu.memory_space<vmem_shared>> -> memref<6256xf32, #tpu.memory_space<vmem_shared>>
      %dma_wait3A_48 = tpu.memref_slice %arg17[%mul3A_33] : memref<100096xf32, #tpu.memory_space<vmem_shared>> -> memref<6256xf32, #tpu.memory_space<vmem_shared>>
      tpu.wait_dma2 semaphore(%run_scoped3A : memref<!tpu.dma_semaphore, #tpu.memory_space<semaphore_mem>>) src(%arg19 : memref<6256xf32, #tpu.memory_space<vmem>>) dst(%dma_wait3A_48 : memref<6256xf32, #tpu.memory_space<vmem_shared>>)
      tpu.yield
    }) : () -> ()
    %barrier3A = arith.constant 0 : index
    tpu.barrier barrier_id(%barrier3A)
    %scan3A = arith.constant 0 : i32
    %scan3A_34 = arith.constant 5 : i32
    %scan3A_35 = arith.addi %scan3A, %scan3A_34 : i32
    %scan3A_36 = arith.constant 1 : i32
    scf.for %scan3A_46 = %scan3A to %scan3A_35 step %scan3A_36  : i32 {
      %mul3A_47 = arith.constant 4 : i32
      %mul3A_48 = arith.muli %scan3A_46, %mul3A_47 : i32
      %add3A_49 = arith.constant 0 : i32
      %add3A_50 = arith.addi %add3A_49, %mul3A_48 : i32
      %add3A_51 = arith.constant 0 : i32
      %add3A_52 = arith.addi %add3A_50, %add3A_51 : i32
      %add3A_53 = arith.constant 0 : i32
      %add3A_54 = arith.addi %add3A_52, %add3A_53 : i32
      %mul3A_55 = arith.constant 10000 : i32
      %mul3A_56 = arith.muli %add3A_54, %mul3A_55 : i32
      %add3A_57 = arith.addi %mul3A_2, %mul3A_56 : i32
      %dma_wait3A = tpu.memref_slice %arg2[%add3A_57] : memref<6400000xi32, #tpu.memory_space<hbm>> -> memref<10000xi32, #tpu.memory_space<hbm>>
      %dma_wait3A_58 = tpu.memref_slice %arg2[%add3A_57] : memref<6400000xi32, #tpu.memory_space<hbm>> -> memref<10000xi32, #tpu.memory_space<hbm>>
      tpu.wait_dma2 semaphore(%arg20 : memref<!tpu.dma_semaphore, #tpu.memory_space<semaphore_mem>>) src(%dma_wait3A_58 : memref<10000xi32, #tpu.memory_space<hbm>>) dst(%arg7 : memref<10000xi32, #tpu.memory_space<vmem>>)
      %dma_wait3A_59 = tpu.memref_slice %arg3[%add3A_57] : memref<6400000xi32, #tpu.memory_space<hbm>> -> memref<10000xi32, #tpu.memory_space<hbm>>
      %dma_wait3A_60 = tpu.memref_slice %arg3[%add3A_57] : memref<6400000xi32, #tpu.memory_space<hbm>> -> memref<10000xi32, #tpu.memory_space<hbm>>
      tpu.wait_dma2 semaphore(%arg20 : memref<!tpu.dma_semaphore, #tpu.memory_space<semaphore_mem>>) src(%dma_wait3A_60 : memref<10000xi32, #tpu.memory_space<hbm>>) dst(%arg11 : memref<10000xi32, #tpu.memory_space<vmem>>)
      %dma_start3A_61 = arith.constant 0 : i32
      %dma_start3A_62 = tpu.memref_slice %arg18[%dma_start3A_61] : memref<100096xf32, #tpu.memory_space<vmem_shared>> -> memref<100096xf32, #tpu.memory_space<vmem_shared>>
      tpu.enqueue_indirect_dma source(%dma_start3A_62 : memref<100096xf32, #tpu.memory_space<vmem_shared>>) target(%arg15 : memref<10000xf32, #tpu.memory_space<vmem>>) offsets(%arg7 : memref<10000xi32, #tpu.memory_space<vmem>>) semaphore(%arg24 : memref<!tpu.dma_semaphore, #tpu.memory_space<semaphore_mem>>)
      %add3A_63 = arith.constant 1 : i32
      %add3A_64 = arith.addi %add3A_52, %add3A_63 : i32
      %mul3A_65 = arith.constant 10000 : i32
      %mul3A_66 = arith.muli %add3A_64, %mul3A_65 : i32
      %add3A_67 = arith.addi %mul3A_2, %mul3A_66 : i32
      %dma_wait3A_68 = tpu.memref_slice %arg2[%add3A_67] : memref<6400000xi32, #tpu.memory_space<hbm>> -> memref<10000xi32, #tpu.memory_space<hbm>>
      %dma_wait3A_69 = tpu.memref_slice %arg2[%add3A_67] : memref<6400000xi32, #tpu.memory_space<hbm>> -> memref<10000xi32, #tpu.memory_space<hbm>>
      tpu.wait_dma2 semaphore(%arg21 : memref<!tpu.dma_semaphore, #tpu.memory_space<semaphore_mem>>) src(%dma_wait3A_69 : memref<10000xi32, #tpu.memory_space<hbm>>) dst(%arg8 : memref<10000xi32, #tpu.memory_space<vmem>>)
      %dma_wait3A_70 = tpu.memref_slice %arg3[%add3A_67] : memref<6400000xi32, #tpu.memory_space<hbm>> -> memref<10000xi32, #tpu.memory_space<hbm>>
      %dma_wait3A_71 = tpu.memref_slice %arg3[%add3A_67] : memref<6400000xi32, #tpu.memory_space<hbm>> -> memref<10000xi32, #tpu.memory_space<hbm>>
      tpu.wait_dma2 semaphore(%arg21 : memref<!tpu.dma_semaphore, #tpu.memory_space<semaphore_mem>>) src(%dma_wait3A_71 : memref<10000xi32, #tpu.memory_space<hbm>>) dst(%arg12 : memref<10000xi32, #tpu.memory_space<vmem>>)
      %dma_start3A_72 = arith.constant 0 : i32
      %dma_start3A_73 = tpu.memref_slice %arg18[%dma_start3A_72] : memref<100096xf32, #tpu.memory_space<vmem_shared>> -> memref<100096xf32, #tpu.memory_space<vmem_shared>>
      tpu.enqueue_indirect_dma source(%dma_start3A_73 : memref<100096xf32, #tpu.memory_space<vmem_shared>>) target(%arg16 : memref<10000xf32, #tpu.memory_space<vmem>>) offsets(%arg8 : memref<10000xi32, #tpu.memory_space<vmem>>) semaphore(%arg25 : memref<!tpu.dma_semaphore, #tpu.memory_space<semaphore_mem>>)
      %dma_wait3A_74 = arith.constant 0 : i32
      %dma_wait3A_75 = tpu.memref_slice %arg18[%dma_wait3A_74] : memref<100096xf32, #tpu.memory_space<vmem_shared>> -> memref<100096xf32, #tpu.memory_space<vmem_shared>>
      tpu.wait_indirect_dma semaphore(%arg24 : memref<!tpu.dma_semaphore, #tpu.memory_space<semaphore_mem>>) src(%dma_wait3A_75 : memref<100096xf32, #tpu.memory_space<vmem_shared>>) dst(%arg15 : memref<10000xf32, #tpu.memory_space<vmem>>)
      %dma_wait3A_76 = arith.constant 0 : i32
      %dma_wait3A_77 = tpu.memref_slice %arg18[%dma_wait3A_76] : memref<100096xf32, #tpu.memory_space<vmem_shared>> -> memref<100096xf32, #tpu.memory_space<vmem_shared>>
      tpu.wait_indirect_dma semaphore(%arg25 : memref<!tpu.dma_semaphore, #tpu.memory_space<semaphore_mem>>) src(%dma_wait3A_77 : memref<100096xf32, #tpu.memory_space<vmem_shared>>) dst(%arg16 : memref<10000xf32, #tpu.memory_space<vmem>>)
      %barrier3A_78 = arith.constant 0 : index
      tpu.barrier barrier_id(%barrier3A_78)
      %dma_start3A_79 = arith.constant 0 : i32
      %dma_start3A_80 = tpu.memref_slice %arg17[%dma_start3A_79] : memref<100096xf32, #tpu.memory_space<vmem_shared>> -> memref<100096xf32, #tpu.memory_space<vmem_shared>>
      tpu.enqueue_indirect_dma source(%arg15 : memref<10000xf32, #tpu.memory_space<vmem>>) target(%dma_start3A_80 : memref<100096xf32, #tpu.memory_space<vmem_shared>>) offsets(%arg11 : memref<10000xi32, #tpu.memory_space<vmem>>) semaphore(%arg26 : memref<!tpu.dma_semaphore, #tpu.memory_space<semaphore_mem>>) {add = true}
      %dma_start3A_81 = arith.constant 0 : i32
      %dma_start3A_82 = tpu.memref_slice %arg17[%dma_start3A_81] : memref<100096xf32, #tpu.memory_space<vmem_shared>> -> memref<100096xf32, #tpu.memory_space<vmem_shared>>
      tpu.enqueue_indirect_dma source(%arg16 : memref<10000xf32, #tpu.memory_space<vmem>>) target(%dma_start3A_82 : memref<100096xf32, #tpu.memory_space<vmem_shared>>) offsets(%arg12 : memref<10000xi32, #tpu.memory_space<vmem>>) semaphore(%arg27 : memref<!tpu.dma_semaphore, #tpu.memory_space<semaphore_mem>>) {add = true}
      %dma_wait3A_83 = arith.constant 0 : i32
      %dma_wait3A_84 = tpu.memref_slice %arg17[%dma_wait3A_83] : memref<100096xf32, #tpu.memory_space<vmem_shared>> -> memref<100096xf32, #tpu.memory_space<vmem_shared>>
      tpu.wait_indirect_dma semaphore(%arg26 : memref<!tpu.dma_semaphore, #tpu.memory_space<semaphore_mem>>) src(%arg15 : memref<10000xf32, #tpu.memory_space<vmem>>) dst(%dma_wait3A_84 : memref<100096xf32, #tpu.memory_space<vmem_shared>>)
      %dma_wait3A_85 = arith.constant 0 : i32
      %dma_wait3A_86 = tpu.memref_slice %arg17[%dma_wait3A_85] : memref<100096xf32, #tpu.memory_space<vmem_shared>> -> memref<100096xf32, #tpu.memory_space<vmem_shared>>
      tpu.wait_indirect_dma semaphore(%arg27 : memref<!tpu.dma_semaphore, #tpu.memory_space<semaphore_mem>>) src(%arg16 : memref<10000xf32, #tpu.memory_space<vmem>>) dst(%dma_wait3A_86 : memref<100096xf32, #tpu.memory_space<vmem_shared>>)
      %add3A_87 = arith.constant 4 : i32
      %add3A_88 = arith.addi %add3A_52, %add3A_87 : i32
      %lt3A = arith.constant 20 : i32
      %lt3A_89 = arith.cmpi slt, %add3A_88, %lt3A : i32
      %convert_element_type3A = arith.extui %lt3A_89 : i1 to i32
      %cond3A = arith.constant 0 : i32
      %cond3A_90 = arith.cmpi ne, %convert_element_type3A, %cond3A : i32
      scf.if %cond3A_90 {
        %add3A_137 = arith.constant 4 : i32
        %add3A_138 = arith.addi %add3A_52, %add3A_137 : i32
        %add3A_139 = arith.constant 0 : i32
        %add3A_140 = arith.addi %add3A_138, %add3A_139 : i32
        %mul3A_141 = arith.constant 10000 : i32
        %mul3A_142 = arith.muli %add3A_140, %mul3A_141 : i32
        %add3A_143 = arith.addi %mul3A_2, %mul3A_142 : i32
        %dma_start3A_144 = tpu.memref_slice %arg2[%add3A_143] : memref<6400000xi32, #tpu.memory_space<hbm>> -> memref<10000xi32, #tpu.memory_space<hbm>>
        %dma_start3A_145 = tpu.memref_slice %arg2[%add3A_143] : memref<6400000xi32, #tpu.memory_space<hbm>> -> memref<10000xi32, #tpu.memory_space<hbm>>
        tpu.enqueue_dma source(%dma_start3A_145 : memref<10000xi32, #tpu.memory_space<hbm>>) target(%arg7 : memref<10000xi32, #tpu.memory_space<vmem>>) target_semaphore(%arg20 : memref<!tpu.dma_semaphore, #tpu.memory_space<semaphore_mem>>)
        %dma_start3A_146 = tpu.memref_slice %arg3[%add3A_143] : memref<6400000xi32, #tpu.memory_space<hbm>> -> memref<10000xi32, #tpu.memory_space<hbm>>
        %dma_start3A_147 = tpu.memref_slice %arg3[%add3A_143] : memref<6400000xi32, #tpu.memory_space<hbm>> -> memref<10000xi32, #tpu.memory_space<hbm>>
        tpu.enqueue_dma source(%dma_start3A_147 : memref<10000xi32, #tpu.memory_space<hbm>>) target(%arg11 : memref<10000xi32, #tpu.memory_space<vmem>>) target_semaphore(%arg20 : memref<!tpu.dma_semaphore, #tpu.memory_space<semaphore_mem>>)
        %add3A_148 = arith.constant 4 : i32
        %add3A_149 = arith.addi %add3A_52, %add3A_148 : i32
        %add3A_150 = arith.constant 1 : i32
        %add3A_151 = arith.addi %add3A_149, %add3A_150 : i32
        %mul3A_152 = arith.constant 10000 : i32
        %mul3A_153 = arith.muli %add3A_151, %mul3A_152 : i32
        %add3A_154 = arith.addi %mul3A_2, %mul3A_153 : i32
        %dma_start3A_155 = tpu.memref_slice %arg2[%add3A_154] : memref<6400000xi32, #tpu.memory_space<hbm>> -> memref<10000xi32, #tpu.memory_space<hbm>>
        %dma_start3A_156 = tpu.memref_slice %arg2[%add3A_154] : memref<6400000xi32, #tpu.memory_space<hbm>> -> memref<10000xi32, #tpu.memory_space<hbm>>
        tpu.enqueue_dma source(%dma_start3A_156 : memref<10000xi32, #tpu.memory_space<hbm>>) target(%arg8 : memref<10000xi32, #tpu.memory_space<vmem>>) target_semaphore(%arg21 : memref<!tpu.dma_semaphore, #tpu.memory_space<semaphore_mem>>)
        %dma_start3A_157 = tpu.memref_slice %arg3[%add3A_154] : memref<6400000xi32, #tpu.memory_space<hbm>> -> memref<10000xi32, #tpu.memory_space<hbm>>
        %dma_start3A_158 = tpu.memref_slice %arg3[%add3A_154] : memref<6400000xi32, #tpu.memory_space<hbm>> -> memref<10000xi32, #tpu.memory_space<hbm>>
        tpu.enqueue_dma source(%dma_start3A_158 : memref<10000xi32, #tpu.memory_space<hbm>>) target(%arg12 : memref<10000xi32, #tpu.memory_space<vmem>>) target_semaphore(%arg21 : memref<!tpu.dma_semaphore, #tpu.memory_space<semaphore_mem>>)
      } else {
      }
      %barrier3A_91 = arith.constant 0 : index
      tpu.barrier barrier_id(%barrier3A_91)
      %add3A_92 = arith.constant 2 : i32
      %add3A_93 = arith.addi %add3A_50, %add3A_92 : i32
      %add3A_94 = arith.constant 0 : i32
      %add3A_95 = arith.addi %add3A_93, %add3A_94 : i32
      %mul3A_96 = arith.constant 10000 : i32
      %mul3A_97 = arith.muli %add3A_95, %mul3A_96 : i32
      %add3A_98 = arith.addi %mul3A_2, %mul3A_97 : i32
      %dma_wait3A_99 = tpu.memref_slice %arg2[%add3A_98] : memref<6400000xi32, #tpu.memory_space<hbm>> -> memref<10000xi32, #tpu.memory_space<hbm>>
      %dma_wait3A_100 = tpu.memref_slice %arg2[%add3A_98] : memref<6400000xi32, #tpu.memory_space<hbm>> -> memref<10000xi32, #tpu.memory_space<hbm>>
      tpu.wait_dma2 semaphore(%arg22 : memref<!tpu.dma_semaphore, #tpu.memory_space<semaphore_mem>>) src(%dma_wait3A_100 : memref<10000xi32, #tpu.memory_space<hbm>>) dst(%arg9 : memref<10000xi32, #tpu.memory_space<vmem>>)
      %dma_wait3A_101 = tpu.memref_slice %arg3[%add3A_98] : memref<6400000xi32, #tpu.memory_space<hbm>> -> memref<10000xi32, #tpu.memory_space<hbm>>
      %dma_wait3A_102 = tpu.memref_slice %arg3[%add3A_98] : memref<6400000xi32, #tpu.memory_space<hbm>> -> memref<10000xi32, #tpu.memory_space<hbm>>
      tpu.wait_dma2 semaphore(%arg22 : memref<!tpu.dma_semaphore, #tpu.memory_space<semaphore_mem>>) src(%dma_wait3A_102 : memref<10000xi32, #tpu.memory_space<hbm>>) dst(%arg13 : memref<10000xi32, #tpu.memory_space<vmem>>)
      %dma_start3A_103 = arith.constant 0 : i32
      %dma_start3A_104 = tpu.memref_slice %arg18[%dma_start3A_103] : memref<100096xf32, #tpu.memory_space<vmem_shared>> -> memref<100096xf32, #tpu.memory_space<vmem_shared>>
      tpu.enqueue_indirect_dma source(%dma_start3A_104 : memref<100096xf32, #tpu.memory_space<vmem_shared>>) target(%arg15 : memref<10000xf32, #tpu.memory_space<vmem>>) offsets(%arg9 : memref<10000xi32, #tpu.memory_space<vmem>>) semaphore(%arg24 : memref<!tpu.dma_semaphore, #tpu.memory_space<semaphore_mem>>)
      %add3A_105 = arith.constant 1 : i32
      %add3A_106 = arith.addi %add3A_93, %add3A_105 : i32
      %mul3A_107 = arith.constant 10000 : i32
      %mul3A_108 = arith.muli %add3A_106, %mul3A_107 : i32
      %add3A_109 = arith.addi %mul3A_2, %mul3A_108 : i32
      %dma_wait3A_110 = tpu.memref_slice %arg2[%add3A_109] : memref<6400000xi32, #tpu.memory_space<hbm>> -> memref<10000xi32, #tpu.memory_space<hbm>>
      %dma_wait3A_111 = tpu.memref_slice %arg2[%add3A_109] : memref<6400000xi32, #tpu.memory_space<hbm>> -> memref<10000xi32, #tpu.memory_space<hbm>>
      tpu.wait_dma2 semaphore(%arg23 : memref<!tpu.dma_semaphore, #tpu.memory_space<semaphore_mem>>) src(%dma_wait3A_111 : memref<10000xi32, #tpu.memory_space<hbm>>) dst(%arg10 : memref<10000xi32, #tpu.memory_space<vmem>>)
      %dma_wait3A_112 = tpu.memref_slice %arg3[%add3A_109] : memref<6400000xi32, #tpu.memory_space<hbm>> -> memref<10000xi32, #tpu.memory_space<hbm>>
      %dma_wait3A_113 = tpu.memref_slice %arg3[%add3A_109] : memref<6400000xi32, #tpu.memory_space<hbm>> -> memref<10000xi32, #tpu.memory_space<hbm>>
      tpu.wait_dma2 semaphore(%arg23 : memref<!tpu.dma_semaphore, #tpu.memory_space<semaphore_mem>>) src(%dma_wait3A_113 : memref<10000xi32, #tpu.memory_space<hbm>>) dst(%arg14 : memref<10000xi32, #tpu.memory_space<vmem>>)
      %dma_start3A_114 = arith.constant 0 : i32
      %dma_start3A_115 = tpu.memref_slice %arg18[%dma_start3A_114] : memref<100096xf32, #tpu.memory_space<vmem_shared>> -> memref<100096xf32, #tpu.memory_space<vmem_shared>>
      tpu.enqueue_indirect_dma source(%dma_start3A_115 : memref<100096xf32, #tpu.memory_space<vmem_shared>>) target(%arg16 : memref<10000xf32, #tpu.memory_space<vmem>>) offsets(%arg10 : memref<10000xi32, #tpu.memory_space<vmem>>) semaphore(%arg25 : memref<!tpu.dma_semaphore, #tpu.memory_space<semaphore_mem>>)
      %dma_wait3A_116 = arith.constant 0 : i32
      %dma_wait3A_117 = tpu.memref_slice %arg18[%dma_wait3A_116] : memref<100096xf32, #tpu.memory_space<vmem_shared>> -> memref<100096xf32, #tpu.memory_space<vmem_shared>>
      tpu.wait_indirect_dma semaphore(%arg24 : memref<!tpu.dma_semaphore, #tpu.memory_space<semaphore_mem>>) src(%dma_wait3A_117 : memref<100096xf32, #tpu.memory_space<vmem_shared>>) dst(%arg15 : memref<10000xf32, #tpu.memory_space<vmem>>)
      %dma_wait3A_118 = arith.constant 0 : i32
      %dma_wait3A_119 = tpu.memref_slice %arg18[%dma_wait3A_118] : memref<100096xf32, #tpu.memory_space<vmem_shared>> -> memref<100096xf32, #tpu.memory_space<vmem_shared>>
      tpu.wait_indirect_dma semaphore(%arg25 : memref<!tpu.dma_semaphore, #tpu.memory_space<semaphore_mem>>) src(%dma_wait3A_119 : memref<100096xf32, #tpu.memory_space<vmem_shared>>) dst(%arg16 : memref<10000xf32, #tpu.memory_space<vmem>>)
      %barrier3A_120 = arith.constant 0 : index
      tpu.barrier barrier_id(%barrier3A_120)
      %dma_start3A_121 = arith.constant 0 : i32
      %dma_start3A_122 = tpu.memref_slice %arg17[%dma_start3A_121] : memref<100096xf32, #tpu.memory_space<vmem_shared>> -> memref<100096xf32, #tpu.memory_space<vmem_shared>>
      tpu.enqueue_indirect_dma source(%arg15 : memref<10000xf32, #tpu.memory_space<vmem>>) target(%dma_start3A_122 : memref<100096xf32, #tpu.memory_space<vmem_shared>>) offsets(%arg13 : memref<10000xi32, #tpu.memory_space<vmem>>) semaphore(%arg26 : memref<!tpu.dma_semaphore, #tpu.memory_space<semaphore_mem>>) {add = true}
      %dma_start3A_123 = arith.constant 0 : i32
      %dma_start3A_124 = tpu.memref_slice %arg17[%dma_start3A_123] : memref<100096xf32, #tpu.memory_space<vmem_shared>> -> memref<100096xf32, #tpu.memory_space<vmem_shared>>
      tpu.enqueue_indirect_dma source(%arg16 : memref<10000xf32, #tpu.memory_space<vmem>>) target(%dma_start3A_124 : memref<100096xf32, #tpu.memory_space<vmem_shared>>) offsets(%arg14 : memref<10000xi32, #tpu.memory_space<vmem>>) semaphore(%arg27 : memref<!tpu.dma_semaphore, #tpu.memory_space<semaphore_mem>>) {add = true}
      %dma_wait3A_125 = arith.constant 0 : i32
      %dma_wait3A_126 = tpu.memref_slice %arg17[%dma_wait3A_125] : memref<100096xf32, #tpu.memory_space<vmem_shared>> -> memref<100096xf32, #tpu.memory_space<vmem_shared>>
      tpu.wait_indirect_dma semaphore(%arg26 : memref<!tpu.dma_semaphore, #tpu.memory_space<semaphore_mem>>) src(%arg15 : memref<10000xf32, #tpu.memory_space<vmem>>) dst(%dma_wait3A_126 : memref<100096xf32, #tpu.memory_space<vmem_shared>>)
      %dma_wait3A_127 = arith.constant 0 : i32
      %dma_wait3A_128 = tpu.memref_slice %arg17[%dma_wait3A_127] : memref<100096xf32, #tpu.memory_space<vmem_shared>> -> memref<100096xf32, #tpu.memory_space<vmem_shared>>
      tpu.wait_indirect_dma semaphore(%arg27 : memref<!tpu.dma_semaphore, #tpu.memory_space<semaphore_mem>>) src(%arg16 : memref<10000xf32, #tpu.memory_space<vmem>>) dst(%dma_wait3A_128 : memref<100096xf32, #tpu.memory_space<vmem_shared>>)
      %add3A_129 = arith.constant 4 : i32
      %add3A_130 = arith.addi %add3A_93, %add3A_129 : i32
      %lt3A_131 = arith.constant 20 : i32
      %lt3A_132 = arith.cmpi slt, %add3A_130, %lt3A_131 : i32
      %convert_element_type3A_133 = arith.extui %lt3A_132 : i1 to i32
      %cond3A_134 = arith.constant 0 : i32
      %cond3A_135 = arith.cmpi ne, %convert_element_type3A_133, %cond3A_134 : i32
      scf.if %cond3A_135 {
        %add3A_137 = arith.constant 4 : i32
        %add3A_138 = arith.addi %add3A_93, %add3A_137 : i32
        %add3A_139 = arith.constant 0 : i32
        %add3A_140 = arith.addi %add3A_138, %add3A_139 : i32
        %mul3A_141 = arith.constant 10000 : i32
        %mul3A_142 = arith.muli %add3A_140, %mul3A_141 : i32
        %add3A_143 = arith.addi %mul3A_2, %mul3A_142 : i32
        %dma_start3A_144 = tpu.memref_slice %arg2[%add3A_143] : memref<6400000xi32, #tpu.memory_space<hbm>> -> memref<10000xi32, #tpu.memory_space<hbm>>
        %dma_start3A_145 = tpu.memref_slice %arg2[%add3A_143] : memref<6400000xi32, #tpu.memory_space<hbm>> -> memref<10000xi32, #tpu.memory_space<hbm>>
        tpu.enqueue_dma source(%dma_start3A_145 : memref<10000xi32, #tpu.memory_space<hbm>>) target(%arg9 : memref<10000xi32, #tpu.memory_space<vmem>>) target_semaphore(%arg22 : memref<!tpu.dma_semaphore, #tpu.memory_space<semaphore_mem>>)
        %dma_start3A_146 = tpu.memref_slice %arg3[%add3A_143] : memref<6400000xi32, #tpu.memory_space<hbm>> -> memref<10000xi32, #tpu.memory_space<hbm>>
        %dma_start3A_147 = tpu.memref_slice %arg3[%add3A_143] : memref<6400000xi32, #tpu.memory_space<hbm>> -> memref<10000xi32, #tpu.memory_space<hbm>>
        tpu.enqueue_dma source(%dma_start3A_147 : memref<10000xi32, #tpu.memory_space<hbm>>) target(%arg13 : memref<10000xi32, #tpu.memory_space<vmem>>) target_semaphore(%arg22 : memref<!tpu.dma_semaphore, #tpu.memory_space<semaphore_mem>>)
        %add3A_148 = arith.constant 4 : i32
        %add3A_149 = arith.addi %add3A_93, %add3A_148 : i32
        %add3A_150 = arith.constant 1 : i32
        %add3A_151 = arith.addi %add3A_149, %add3A_150 : i32
        %mul3A_152 = arith.constant 10000 : i32
        %mul3A_153 = arith.muli %add3A_151, %mul3A_152 : i32
        %add3A_154 = arith.addi %mul3A_2, %mul3A_153 : i32
        %dma_start3A_155 = tpu.memref_slice %arg2[%add3A_154] : memref<6400000xi32, #tpu.memory_space<hbm>> -> memref<10000xi32, #tpu.memory_space<hbm>>
        %dma_start3A_156 = tpu.memref_slice %arg2[%add3A_154] : memref<6400000xi32, #tpu.memory_space<hbm>> -> memref<10000xi32, #tpu.memory_space<hbm>>
        tpu.enqueue_dma source(%dma_start3A_156 : memref<10000xi32, #tpu.memory_space<hbm>>) target(%arg10 : memref<10000xi32, #tpu.memory_space<vmem>>) target_semaphore(%arg23 : memref<!tpu.dma_semaphore, #tpu.memory_space<semaphore_mem>>)
        %dma_start3A_157 = tpu.memref_slice %arg3[%add3A_154] : memref<6400000xi32, #tpu.memory_space<hbm>> -> memref<10000xi32, #tpu.memory_space<hbm>>
        %dma_start3A_158 = tpu.memref_slice %arg3[%add3A_154] : memref<6400000xi32, #tpu.memory_space<hbm>> -> memref<10000xi32, #tpu.memory_space<hbm>>
        tpu.enqueue_dma source(%dma_start3A_158 : memref<10000xi32, #tpu.memory_space<hbm>>) target(%arg14 : memref<10000xi32, #tpu.memory_space<vmem>>) target_semaphore(%arg23 : memref<!tpu.dma_semaphore, #tpu.memory_space<semaphore_mem>>)
      } else {
      }
      %barrier3A_136 = arith.constant 0 : index
      tpu.barrier barrier_id(%barrier3A_136)
    }
    %scan3A_37 = arith.constant 5 : i32
    %barrier3A_38 = arith.constant 0 : index
    tpu.barrier barrier_id(%barrier3A_38)
    %mul3A_39 = arith.constant 6256 : i32
    %mul3A_40 = arith.muli %arg1, %mul3A_39 : i32
    "tpu.region"() ({
      %run_scoped3A = tpu.sem_alloc : memref<!tpu.dma_semaphore, #tpu.memory_space<semaphore_mem>>
      %dma_start3A_46 = tpu.memref_slice %arg17[%mul3A_40] : memref<100096xf32, #tpu.memory_space<vmem_shared>> -> memref<6256xf32, #tpu.memory_space<vmem_shared>>
      %dma_start3A_47 = tpu.memref_slice %arg17[%mul3A_40] : memref<100096xf32, #tpu.memory_space<vmem_shared>> -> memref<6256xf32, #tpu.memory_space<vmem_shared>>
      tpu.enqueue_dma source(%dma_start3A_47 : memref<6256xf32, #tpu.memory_space<vmem_shared>>) target(%arg19 : memref<6256xf32, #tpu.memory_space<vmem>>) target_semaphore(%run_scoped3A : memref<!tpu.dma_semaphore, #tpu.memory_space<semaphore_mem>>)
      %dma_wait3A = tpu.memref_slice %arg17[%mul3A_40] : memref<100096xf32, #tpu.memory_space<vmem_shared>> -> memref<6256xf32, #tpu.memory_space<vmem_shared>>
      %dma_wait3A_48 = tpu.memref_slice %arg17[%mul3A_40] : memref<100096xf32, #tpu.memory_space<vmem_shared>> -> memref<6256xf32, #tpu.memory_space<vmem_shared>>
      tpu.wait_dma2 semaphore(%run_scoped3A : memref<!tpu.dma_semaphore, #tpu.memory_space<semaphore_mem>>) src(%dma_wait3A_48 : memref<6256xf32, #tpu.memory_space<vmem_shared>>) dst(%arg19 : memref<6256xf32, #tpu.memory_space<vmem>>)
      tpu.yield
    }) : () -> ()
    %mul3A_41 = arith.constant 100096 : i32
    %mul3A_42 = arith.muli %arg0, %mul3A_41 : i32
    %mul3A_43 = arith.constant 6256 : i32
    %mul3A_44 = arith.muli %arg1, %mul3A_43 : i32
    %add3A_45 = arith.addi %mul3A_42, %mul3A_44 : i32
    "tpu.region"() ({
      %run_scoped3A = tpu.sem_alloc : memref<!tpu.dma_semaphore, #tpu.memory_space<semaphore_mem>>
      %dma_start3A_46 = tpu.memref_slice %arg6[%add3A_45] : memref<200192xf32, #tpu.memory_space<hbm>> -> memref<6256xf32, #tpu.memory_space<hbm>>
      %dma_start3A_47 = tpu.memref_slice %arg6[%add3A_45] : memref<200192xf32, #tpu.memory_space<hbm>> -> memref<6256xf32, #tpu.memory_space<hbm>>
      tpu.enqueue_dma source(%arg19 : memref<6256xf32, #tpu.memory_space<vmem>>) target(%dma_start3A_47 : memref<6256xf32, #tpu.memory_space<hbm>>) target_semaphore(%run_scoped3A : memref<!tpu.dma_semaphore, #tpu.memory_space<semaphore_mem>>)
      %dma_wait3A = tpu.memref_slice %arg6[%add3A_45] : memref<200192xf32, #tpu.memory_space<hbm>> -> memref<6256xf32, #tpu.memory_space<hbm>>
      %dma_wait3A_48 = tpu.memref_slice %arg6[%add3A_45] : memref<200192xf32, #tpu.memory_space<hbm>> -> memref<6256xf32, #tpu.memory_space<hbm>>
      tpu.wait_dma2 semaphore(%run_scoped3A : memref<!tpu.dma_semaphore, #tpu.memory_space<semaphore_mem>>) src(%arg19 : memref<6256xf32, #tpu.memory_space<vmem>>) dst(%dma_wait3A_48 : memref<6256xf32, #tpu.memory_space<hbm>>)
      tpu.yield
    }) : () -> ()
    return
  }
}

#map = affine_map<(d0, d1) -> (0)>
module attributes {stable_mosaic.version = 14 : i64} {
  func.func @push(%arg0: i32, %arg1: i32, %arg2: memref<6400000xi32, #tpu.memory_space<hbm>>, %arg3: memref<6400000xi32, #tpu.memory_space<hbm>>, %arg4: memref<100096xf32, #tpu.memory_space<hbm>>, %arg5: memref<100096xf32, #tpu.memory_space<hbm>>, %arg6: memref<200192xf32, #tpu.memory_space<hbm>>, %arg7: memref<10000xi32, #tpu.memory_space<vmem>>, %arg8: memref<10000xi32, #tpu.memory_space<vmem>>, %arg9: memref<10000xi32, #tpu.memory_space<vmem>>, %arg10: memref<10000xi32, #tpu.memory_space<vmem>>, %arg11: memref<10000xi32, #tpu.memory_space<vmem>>, %arg12: memref<10000xi32, #tpu.memory_space<vmem>>, %arg13: memref<10000xi32, #tpu.memory_space<vmem>>, %arg14: memref<10000xi32, #tpu.memory_space<vmem>>, %arg15: memref<10000xf32, #tpu.memory_space<vmem>>, %arg16: memref<10000xf32, #tpu.memory_space<vmem>>, %arg17: memref<100096xf32, #tpu.memory_space<vmem_shared>>, %arg18: memref<100096xf32, #tpu.memory_space<vmem_shared>>, %arg19: memref<6256xf32, #tpu.memory_space<vmem>>, %arg20: memref<!tpu.dma_semaphore, #tpu.memory_space<semaphore_mem>>, %arg21: memref<!tpu.dma_semaphore, #tpu.memory_space<semaphore_mem>>, %arg22: memref<!tpu.dma_semaphore, #tpu.memory_space<semaphore_mem>>, %arg23: memref<!tpu.dma_semaphore, #tpu.memory_space<semaphore_mem>>, %arg24: memref<!tpu.dma_semaphore, #tpu.memory_space<semaphore_mem>>, %arg25: memref<!tpu.dma_semaphore, #tpu.memory_space<semaphore_mem>>, %arg26: memref<!tpu.dma_semaphore, #tpu.memory_space<semaphore_mem>>, %arg27: memref<!tpu.dma_semaphore, #tpu.memory_space<semaphore_mem>>) attributes {dimension_semantics = [#tpu.dimension_semantics<core_parallel>, #tpu.dimension_semantics<subcore_parallel>], iteration_bounds = array<i64: 2, 16>, scalar_prefetch = 0 : i64, scratch_operands = 21 : i64, tpu.core_type = #tpu.core_type<sc_vector_subcore>, window_params = [{transform_indices = #map}, {transform_indices = #map}, {transform_indices = #map}, {transform_indices = #map}, {transform_indices = #map}]} {
    %mul3A = arith.constant 16 : i32
    %mul3A_0 = arith.muli %arg0, %mul3A : i32
    %add3A = arith.addi %mul3A_0, %arg1 : i32
    %mul3A_1 = arith.constant 200000 : i32
    %mul3A_2 = arith.muli %add3A, %mul3A_1 : i32
    %mul3A_3 = arith.constant 6256 : i32
    %mul3A_4 = arith.muli %arg1, %mul3A_3 : i32
    "tpu.region"() ({
      %run_scoped3A = tpu.sem_alloc : memref<!tpu.dma_semaphore, #tpu.memory_space<semaphore_mem>>
      %dma_start3A_46 = tpu.memref_slice %arg4[%mul3A_4] : memref<100096xf32, #tpu.memory_space<hbm>> -> memref<6256xf32, #tpu.memory_space<hbm>>
      %dma_start3A_47 = tpu.memref_slice %arg4[%mul3A_4] : memref<100096xf32, #tpu.memory_space<hbm>> -> memref<6256xf32, #tpu.memory_space<hbm>>
      tpu.enqueue_dma source(%dma_start3A_47 : memref<6256xf32, #tpu.memory_space<hbm>>) target(%arg19 : memref<6256xf32, #tpu.memory_space<vmem>>) target_semaphore(%run_scoped3A : memref<!tpu.dma_semaphore, #tpu.memory_space<semaphore_mem>>)
      %dma_wait3A = tpu.memref_slice %arg4[%mul3A_4] : memref<100096xf32, #tpu.memory_space<hbm>> -> memref<6256xf32, #tpu.memory_space<hbm>>
      %dma_wait3A_48 = tpu.memref_slice %arg4[%mul3A_4] : memref<100096xf32, #tpu.memory_space<hbm>> -> memref<6256xf32, #tpu.memory_space<hbm>>
      tpu.wait_dma2 semaphore(%run_scoped3A : memref<!tpu.dma_semaphore, #tpu.memory_space<semaphore_mem>>) src(%dma_wait3A_48 : memref<6256xf32, #tpu.memory_space<hbm>>) dst(%arg19 : memref<6256xf32, #tpu.memory_space<vmem>>)
      tpu.yield
    }) : () -> ()
    %mul3A_5 = arith.constant 6256 : i32
    %mul3A_6 = arith.muli %arg1, %mul3A_5 : i32
    "tpu.region"() ({
      %run_scoped3A = tpu.sem_alloc : memref<!tpu.dma_semaphore, #tpu.memory_space<semaphore_mem>>
      %dma_start3A_46 = tpu.memref_slice %arg18[%mul3A_6] : memref<100096xf32, #tpu.memory_space<vmem_shared>> -> memref<6256xf32, #tpu.memory_space<vmem_shared>>
      %dma_start3A_47 = tpu.memref_slice %arg18[%mul3A_6] : memref<100096xf32, #tpu.memory_space<vmem_shared>> -> memref<6256xf32, #tpu.memory_space<vmem_shared>>
      tpu.enqueue_dma source(%arg19 : memref<6256xf32, #tpu.memory_space<vmem>>) target(%dma_start3A_47 : memref<6256xf32, #tpu.memory_space<vmem_shared>>) target_semaphore(%run_scoped3A : memref<!tpu.dma_semaphore, #tpu.memory_space<semaphore_mem>>)
      %dma_wait3A = tpu.memref_slice %arg18[%mul3A_6] : memref<100096xf32, #tpu.memory_space<vmem_shared>> -> memref<6256xf32, #tpu.memory_space<vmem_shared>>
      %dma_wait3A_48 = tpu.memref_slice %arg18[%mul3A_6] : memref<100096xf32, #tpu.memory_space<vmem_shared>> -> memref<6256xf32, #tpu.memory_space<vmem_shared>>
      tpu.wait_dma2 semaphore(%run_scoped3A : memref<!tpu.dma_semaphore, #tpu.memory_space<semaphore_mem>>) src(%arg19 : memref<6256xf32, #tpu.memory_space<vmem>>) dst(%dma_wait3A_48 : memref<6256xf32, #tpu.memory_space<vmem_shared>>)
      tpu.yield
    }) : () -> ()
    %add3A_7 = arith.constant 0 : i32
    %add3A_8 = arith.addi %mul3A_2, %add3A_7 : i32
    %dma_start3A = tpu.memref_slice %arg2[%add3A_8] : memref<6400000xi32, #tpu.memory_space<hbm>> -> memref<10000xi32, #tpu.memory_space<hbm>>
    %dma_start3A_9 = tpu.memref_slice %arg2[%add3A_8] : memref<6400000xi32, #tpu.memory_space<hbm>> -> memref<10000xi32, #tpu.memory_space<hbm>>
    tpu.enqueue_dma source(%dma_start3A_9 : memref<10000xi32, #tpu.memory_space<hbm>>) target(%arg7 : memref<10000xi32, #tpu.memory_space<vmem>>) target_semaphore(%arg20 : memref<!tpu.dma_semaphore, #tpu.memory_space<semaphore_mem>>)
    %dma_start3A_10 = tpu.memref_slice %arg3[%add3A_8] : memref<6400000xi32, #tpu.memory_space<hbm>> -> memref<10000xi32, #tpu.memory_space<hbm>>
    %dma_start3A_11 = tpu.memref_slice %arg3[%add3A_8] : memref<6400000xi32, #tpu.memory_space<hbm>> -> memref<10000xi32, #tpu.memory_space<hbm>>
    tpu.enqueue_dma source(%dma_start3A_11 : memref<10000xi32, #tpu.memory_space<hbm>>) target(%arg11 : memref<10000xi32, #tpu.memory_space<vmem>>) target_semaphore(%arg20 : memref<!tpu.dma_semaphore, #tpu.memory_space<semaphore_mem>>)
    %add3A_12 = arith.constant 10000 : i32
    %add3A_13 = arith.addi %mul3A_2, %add3A_12 : i32
    %dma_start3A_14 = tpu.memref_slice %arg2[%add3A_13] : memref<6400000xi32, #tpu.memory_space<hbm>> -> memref<10000xi32, #tpu.memory_space<hbm>>
    %dma_start3A_15 = tpu.memref_slice %arg2[%add3A_13] : memref<6400000xi32, #tpu.memory_space<hbm>> -> memref<10000xi32, #tpu.memory_space<hbm>>
    tpu.enqueue_dma source(%dma_start3A_15 : memref<10000xi32, #tpu.memory_space<hbm>>) target(%arg8 : memref<10000xi32, #tpu.memory_space<vmem>>) target_semaphore(%arg21 : memref<!tpu.dma_semaphore, #tpu.memory_space<semaphore_mem>>)
    %dma_start3A_16 = tpu.memref_slice %arg3[%add3A_13] : memref<6400000xi32, #tpu.memory_space<hbm>> -> memref<10000xi32, #tpu.memory_space<hbm>>
    %dma_start3A_17 = tpu.memref_slice %arg3[%add3A_13] : memref<6400000xi32, #tpu.memory_space<hbm>> -> memref<10000xi32, #tpu.memory_space<hbm>>
    tpu.enqueue_dma source(%dma_start3A_17 : memref<10000xi32, #tpu.memory_space<hbm>>) target(%arg12 : memref<10000xi32, #tpu.memory_space<vmem>>) target_semaphore(%arg21 : memref<!tpu.dma_semaphore, #tpu.memory_space<semaphore_mem>>)
    %add3A_18 = arith.constant 20000 : i32
    %add3A_19 = arith.addi %mul3A_2, %add3A_18 : i32
    %dma_start3A_20 = tpu.memref_slice %arg2[%add3A_19] : memref<6400000xi32, #tpu.memory_space<hbm>> -> memref<10000xi32, #tpu.memory_space<hbm>>
    %dma_start3A_21 = tpu.memref_slice %arg2[%add3A_19] : memref<6400000xi32, #tpu.memory_space<hbm>> -> memref<10000xi32, #tpu.memory_space<hbm>>
    tpu.enqueue_dma source(%dma_start3A_21 : memref<10000xi32, #tpu.memory_space<hbm>>) target(%arg9 : memref<10000xi32, #tpu.memory_space<vmem>>) target_semaphore(%arg22 : memref<!tpu.dma_semaphore, #tpu.memory_space<semaphore_mem>>)
    %dma_start3A_22 = tpu.memref_slice %arg3[%add3A_19] : memref<6400000xi32, #tpu.memory_space<hbm>> -> memref<10000xi32, #tpu.memory_space<hbm>>
    %dma_start3A_23 = tpu.memref_slice %arg3[%add3A_19] : memref<6400000xi32, #tpu.memory_space<hbm>> -> memref<10000xi32, #tpu.memory_space<hbm>>
    tpu.enqueue_dma source(%dma_start3A_23 : memref<10000xi32, #tpu.memory_space<hbm>>) target(%arg13 : memref<10000xi32, #tpu.memory_space<vmem>>) target_semaphore(%arg22 : memref<!tpu.dma_semaphore, #tpu.memory_space<semaphore_mem>>)
    %add3A_24 = arith.constant 30000 : i32
    %add3A_25 = arith.addi %mul3A_2, %add3A_24 : i32
    %dma_start3A_26 = tpu.memref_slice %arg2[%add3A_25] : memref<6400000xi32, #tpu.memory_space<hbm>> -> memref<10000xi32, #tpu.memory_space<hbm>>
    %dma_start3A_27 = tpu.memref_slice %arg2[%add3A_25] : memref<6400000xi32, #tpu.memory_space<hbm>> -> memref<10000xi32, #tpu.memory_space<hbm>>
    tpu.enqueue_dma source(%dma_start3A_27 : memref<10000xi32, #tpu.memory_space<hbm>>) target(%arg10 : memref<10000xi32, #tpu.memory_space<vmem>>) target_semaphore(%arg23 : memref<!tpu.dma_semaphore, #tpu.memory_space<semaphore_mem>>)
    %dma_start3A_28 = tpu.memref_slice %arg3[%add3A_25] : memref<6400000xi32, #tpu.memory_space<hbm>> -> memref<10000xi32, #tpu.memory_space<hbm>>
    %dma_start3A_29 = tpu.memref_slice %arg3[%add3A_25] : memref<6400000xi32, #tpu.memory_space<hbm>> -> memref<10000xi32, #tpu.memory_space<hbm>>
    tpu.enqueue_dma source(%dma_start3A_29 : memref<10000xi32, #tpu.memory_space<hbm>>) target(%arg14 : memref<10000xi32, #tpu.memory_space<vmem>>) target_semaphore(%arg23 : memref<!tpu.dma_semaphore, #tpu.memory_space<semaphore_mem>>)
    %mul3A_30 = arith.constant 6256 : i32
    %mul3A_31 = arith.muli %arg1, %mul3A_30 : i32
    "tpu.region"() ({
      %run_scoped3A = tpu.sem_alloc : memref<!tpu.dma_semaphore, #tpu.memory_space<semaphore_mem>>
      %dma_start3A_46 = tpu.memref_slice %arg5[%mul3A_31] : memref<100096xf32, #tpu.memory_space<hbm>> -> memref<6256xf32, #tpu.memory_space<hbm>>
      %dma_start3A_47 = tpu.memref_slice %arg5[%mul3A_31] : memref<100096xf32, #tpu.memory_space<hbm>> -> memref<6256xf32, #tpu.memory_space<hbm>>
      tpu.enqueue_dma source(%dma_start3A_47 : memref<6256xf32, #tpu.memory_space<hbm>>) target(%arg19 : memref<6256xf32, #tpu.memory_space<vmem>>) target_semaphore(%run_scoped3A : memref<!tpu.dma_semaphore, #tpu.memory_space<semaphore_mem>>)
      %dma_wait3A = tpu.memref_slice %arg5[%mul3A_31] : memref<100096xf32, #tpu.memory_space<hbm>> -> memref<6256xf32, #tpu.memory_space<hbm>>
      %dma_wait3A_48 = tpu.memref_slice %arg5[%mul3A_31] : memref<100096xf32, #tpu.memory_space<hbm>> -> memref<6256xf32, #tpu.memory_space<hbm>>
      tpu.wait_dma2 semaphore(%run_scoped3A : memref<!tpu.dma_semaphore, #tpu.memory_space<semaphore_mem>>) src(%dma_wait3A_48 : memref<6256xf32, #tpu.memory_space<hbm>>) dst(%arg19 : memref<6256xf32, #tpu.memory_space<vmem>>)
      tpu.yield
    }) : () -> ()
    %mul3A_32 = arith.constant 6256 : i32
    %mul3A_33 = arith.muli %arg1, %mul3A_32 : i32
    "tpu.region"() ({
      %run_scoped3A = tpu.sem_alloc : memref<!tpu.dma_semaphore, #tpu.memory_space<semaphore_mem>>
      %dma_start3A_46 = tpu.memref_slice %arg17[%mul3A_33] : memref<100096xf32, #tpu.memory_space<vmem_shared>> -> memref<6256xf32, #tpu.memory_space<vmem_shared>>
      %dma_start3A_47 = tpu.memref_slice %arg17[%mul3A_33] : memref<100096xf32, #tpu.memory_space<vmem_shared>> -> memref<6256xf32, #tpu.memory_space<vmem_shared>>
      tpu.enqueue_dma source(%arg19 : memref<6256xf32, #tpu.memory_space<vmem>>) target(%dma_start3A_47 : memref<6256xf32, #tpu.memory_space<vmem_shared>>) target_semaphore(%run_scoped3A : memref<!tpu.dma_semaphore, #tpu.memory_space<semaphore_mem>>)
      %dma_wait3A = tpu.memref_slice %arg17[%mul3A_33] : memref<100096xf32, #tpu.memory_space<vmem_shared>> -> memref<6256xf32, #tpu.memory_space<vmem_shared>>
      %dma_wait3A_48 = tpu.memref_slice %arg17[%mul3A_33] : memref<100096xf32, #tpu.memory_space<vmem_shared>> -> memref<6256xf32, #tpu.memory_space<vmem_shared>>
      tpu.wait_dma2 semaphore(%run_scoped3A : memref<!tpu.dma_semaphore, #tpu.memory_space<semaphore_mem>>) src(%arg19 : memref<6256xf32, #tpu.memory_space<vmem>>) dst(%dma_wait3A_48 : memref<6256xf32, #tpu.memory_space<vmem_shared>>)
      tpu.yield
    }) : () -> ()
    %barrier3A = arith.constant 0 : index
    tpu.barrier barrier_id(%barrier3A)
    %scan3A = arith.constant 0 : i32
    %scan3A_34 = arith.constant 5 : i32
    %scan3A_35 = arith.addi %scan3A, %scan3A_34 : i32
    %scan3A_36 = arith.constant 1 : i32
    scf.for %scan3A_46 = %scan3A to %scan3A_35 step %scan3A_36  : i32 {
      %mul3A_47 = arith.constant 4 : i32
      %mul3A_48 = arith.muli %scan3A_46, %mul3A_47 : i32
      %add3A_49 = arith.constant 0 : i32
      %add3A_50 = arith.addi %add3A_49, %mul3A_48 : i32
      %add3A_51 = arith.constant 0 : i32
      %add3A_52 = arith.addi %add3A_50, %add3A_51 : i32
      %add3A_53 = arith.constant 0 : i32
      %add3A_54 = arith.addi %add3A_52, %add3A_53 : i32
      %mul3A_55 = arith.constant 10000 : i32
      %mul3A_56 = arith.muli %add3A_54, %mul3A_55 : i32
      %add3A_57 = arith.addi %mul3A_2, %mul3A_56 : i32
      %dma_wait3A = tpu.memref_slice %arg2[%add3A_57] : memref<6400000xi32, #tpu.memory_space<hbm>> -> memref<10000xi32, #tpu.memory_space<hbm>>
      %dma_wait3A_58 = tpu.memref_slice %arg2[%add3A_57] : memref<6400000xi32, #tpu.memory_space<hbm>> -> memref<10000xi32, #tpu.memory_space<hbm>>
      tpu.wait_dma2 semaphore(%arg20 : memref<!tpu.dma_semaphore, #tpu.memory_space<semaphore_mem>>) src(%dma_wait3A_58 : memref<10000xi32, #tpu.memory_space<hbm>>) dst(%arg7 : memref<10000xi32, #tpu.memory_space<vmem>>)
      %dma_wait3A_59 = tpu.memref_slice %arg3[%add3A_57] : memref<6400000xi32, #tpu.memory_space<hbm>> -> memref<10000xi32, #tpu.memory_space<hbm>>
      %dma_wait3A_60 = tpu.memref_slice %arg3[%add3A_57] : memref<6400000xi32, #tpu.memory_space<hbm>> -> memref<10000xi32, #tpu.memory_space<hbm>>
      tpu.wait_dma2 semaphore(%arg20 : memref<!tpu.dma_semaphore, #tpu.memory_space<semaphore_mem>>) src(%dma_wait3A_60 : memref<10000xi32, #tpu.memory_space<hbm>>) dst(%arg11 : memref<10000xi32, #tpu.memory_space<vmem>>)
      %dma_start3A_61 = arith.constant 0 : i32
      %dma_start3A_62 = tpu.memref_slice %arg18[%dma_start3A_61] : memref<100096xf32, #tpu.memory_space<vmem_shared>> -> memref<100096xf32, #tpu.memory_space<vmem_shared>>
      tpu.enqueue_indirect_dma source(%dma_start3A_62 : memref<100096xf32, #tpu.memory_space<vmem_shared>>) target(%arg15 : memref<10000xf32, #tpu.memory_space<vmem>>) offsets(%arg7 : memref<10000xi32, #tpu.memory_space<vmem>>) semaphore(%arg24 : memref<!tpu.dma_semaphore, #tpu.memory_space<semaphore_mem>>)
      %add3A_63 = arith.constant 1 : i32
      %add3A_64 = arith.addi %add3A_52, %add3A_63 : i32
      %mul3A_65 = arith.constant 10000 : i32
      %mul3A_66 = arith.muli %add3A_64, %mul3A_65 : i32
      %add3A_67 = arith.addi %mul3A_2, %mul3A_66 : i32
      %dma_wait3A_68 = tpu.memref_slice %arg2[%add3A_67] : memref<6400000xi32, #tpu.memory_space<hbm>> -> memref<10000xi32, #tpu.memory_space<hbm>>
      %dma_wait3A_69 = tpu.memref_slice %arg2[%add3A_67] : memref<6400000xi32, #tpu.memory_space<hbm>> -> memref<10000xi32, #tpu.memory_space<hbm>>
      tpu.wait_dma2 semaphore(%arg21 : memref<!tpu.dma_semaphore, #tpu.memory_space<semaphore_mem>>) src(%dma_wait3A_69 : memref<10000xi32, #tpu.memory_space<hbm>>) dst(%arg8 : memref<10000xi32, #tpu.memory_space<vmem>>)
      %dma_wait3A_70 = tpu.memref_slice %arg3[%add3A_67] : memref<6400000xi32, #tpu.memory_space<hbm>> -> memref<10000xi32, #tpu.memory_space<hbm>>
      %dma_wait3A_71 = tpu.memref_slice %arg3[%add3A_67] : memref<6400000xi32, #tpu.memory_space<hbm>> -> memref<10000xi32, #tpu.memory_space<hbm>>
      tpu.wait_dma2 semaphore(%arg21 : memref<!tpu.dma_semaphore, #tpu.memory_space<semaphore_mem>>) src(%dma_wait3A_71 : memref<10000xi32, #tpu.memory_space<hbm>>) dst(%arg12 : memref<10000xi32, #tpu.memory_space<vmem>>)
      %dma_start3A_72 = arith.constant 0 : i32
      %dma_start3A_73 = tpu.memref_slice %arg18[%dma_start3A_72] : memref<100096xf32, #tpu.memory_space<vmem_shared>> -> memref<100096xf32, #tpu.memory_space<vmem_shared>>
      tpu.enqueue_indirect_dma source(%dma_start3A_73 : memref<100096xf32, #tpu.memory_space<vmem_shared>>) target(%arg16 : memref<10000xf32, #tpu.memory_space<vmem>>) offsets(%arg8 : memref<10000xi32, #tpu.memory_space<vmem>>) semaphore(%arg25 : memref<!tpu.dma_semaphore, #tpu.memory_space<semaphore_mem>>)
      %dma_wait3A_74 = arith.constant 0 : i32
      %dma_wait3A_75 = tpu.memref_slice %arg18[%dma_wait3A_74] : memref<100096xf32, #tpu.memory_space<vmem_shared>> -> memref<100096xf32, #tpu.memory_space<vmem_shared>>
      tpu.wait_indirect_dma semaphore(%arg24 : memref<!tpu.dma_semaphore, #tpu.memory_space<semaphore_mem>>) src(%dma_wait3A_75 : memref<100096xf32, #tpu.memory_space<vmem_shared>>) dst(%arg15 : memref<10000xf32, #tpu.memory_space<vmem>>)
      %dma_wait3A_76 = arith.constant 0 : i32
      %dma_wait3A_77 = tpu.memref_slice %arg18[%dma_wait3A_76] : memref<100096xf32, #tpu.memory_space<vmem_shared>> -> memref<100096xf32, #tpu.memory_space<vmem_shared>>
      tpu.wait_indirect_dma semaphore(%arg25 : memref<!tpu.dma_semaphore, #tpu.memory_space<semaphore_mem>>) src(%dma_wait3A_77 : memref<100096xf32, #tpu.memory_space<vmem_shared>>) dst(%arg16 : memref<10000xf32, #tpu.memory_space<vmem>>)
      %barrier3A_78 = arith.constant 0 : index
      tpu.barrier barrier_id(%barrier3A_78)
      %dma_start3A_79 = arith.constant 0 : i32
      %dma_start3A_80 = tpu.memref_slice %arg17[%dma_start3A_79] : memref<100096xf32, #tpu.memory_space<vmem_shared>> -> memref<100096xf32, #tpu.memory_space<vmem_shared>>
      tpu.enqueue_indirect_dma source(%arg15 : memref<10000xf32, #tpu.memory_space<vmem>>) target(%dma_start3A_80 : memref<100096xf32, #tpu.memory_space<vmem_shared>>) offsets(%arg11 : memref<10000xi32, #tpu.memory_space<vmem>>) semaphore(%arg26 : memref<!tpu.dma_semaphore, #tpu.memory_space<semaphore_mem>>) {add = true}
      %dma_start3A_81 = arith.constant 0 : i32
      %dma_start3A_82 = tpu.memref_slice %arg17[%dma_start3A_81] : memref<100096xf32, #tpu.memory_space<vmem_shared>> -> memref<100096xf32, #tpu.memory_space<vmem_shared>>
      tpu.enqueue_indirect_dma source(%arg16 : memref<10000xf32, #tpu.memory_space<vmem>>) target(%dma_start3A_82 : memref<100096xf32, #tpu.memory_space<vmem_shared>>) offsets(%arg12 : memref<10000xi32, #tpu.memory_space<vmem>>) semaphore(%arg27 : memref<!tpu.dma_semaphore, #tpu.memory_space<semaphore_mem>>) {add = true}
      %dma_wait3A_83 = arith.constant 0 : i32
      %dma_wait3A_84 = tpu.memref_slice %arg17[%dma_wait3A_83] : memref<100096xf32, #tpu.memory_space<vmem_shared>> -> memref<100096xf32, #tpu.memory_space<vmem_shared>>
      tpu.wait_indirect_dma semaphore(%arg26 : memref<!tpu.dma_semaphore, #tpu.memory_space<semaphore_mem>>) src(%arg15 : memref<10000xf32, #tpu.memory_space<vmem>>) dst(%dma_wait3A_84 : memref<100096xf32, #tpu.memory_space<vmem_shared>>)
      %dma_wait3A_85 = arith.constant 0 : i32
      %dma_wait3A_86 = tpu.memref_slice %arg17[%dma_wait3A_85] : memref<100096xf32, #tpu.memory_space<vmem_shared>> -> memref<100096xf32, #tpu.memory_space<vmem_shared>>
      tpu.wait_indirect_dma semaphore(%arg27 : memref<!tpu.dma_semaphore, #tpu.memory_space<semaphore_mem>>) src(%arg16 : memref<10000xf32, #tpu.memory_space<vmem>>) dst(%dma_wait3A_86 : memref<100096xf32, #tpu.memory_space<vmem_shared>>)
      %add3A_87 = arith.constant 4 : i32
      %add3A_88 = arith.addi %add3A_52, %add3A_87 : i32
      %lt3A = arith.constant 20 : i32
      %lt3A_89 = arith.cmpi slt, %add3A_88, %lt3A : i32
      %convert_element_type3A = arith.extui %lt3A_89 : i1 to i32
      %cond3A = arith.constant 0 : i32
      %cond3A_90 = arith.cmpi ne, %convert_element_type3A, %cond3A : i32
      scf.if %cond3A_90 {
        %add3A_137 = arith.constant 4 : i32
        %add3A_138 = arith.addi %add3A_52, %add3A_137 : i32
        %add3A_139 = arith.constant 0 : i32
        %add3A_140 = arith.addi %add3A_138, %add3A_139 : i32
        %mul3A_141 = arith.constant 10000 : i32
        %mul3A_142 = arith.muli %add3A_140, %mul3A_141 : i32
        %add3A_143 = arith.addi %mul3A_2, %mul3A_142 : i32
        %dma_start3A_144 = tpu.memref_slice %arg2[%add3A_143] : memref<6400000xi32, #tpu.memory_space<hbm>> -> memref<10000xi32, #tpu.memory_space<hbm>>
        %dma_start3A_145 = tpu.memref_slice %arg2[%add3A_143] : memref<6400000xi32, #tpu.memory_space<hbm>> -> memref<10000xi32, #tpu.memory_space<hbm>>
        tpu.enqueue_dma source(%dma_start3A_145 : memref<10000xi32, #tpu.memory_space<hbm>>) target(%arg7 : memref<10000xi32, #tpu.memory_space<vmem>>) target_semaphore(%arg20 : memref<!tpu.dma_semaphore, #tpu.memory_space<semaphore_mem>>)
        %dma_start3A_146 = tpu.memref_slice %arg3[%add3A_143] : memref<6400000xi32, #tpu.memory_space<hbm>> -> memref<10000xi32, #tpu.memory_space<hbm>>
        %dma_start3A_147 = tpu.memref_slice %arg3[%add3A_143] : memref<6400000xi32, #tpu.memory_space<hbm>> -> memref<10000xi32, #tpu.memory_space<hbm>>
        tpu.enqueue_dma source(%dma_start3A_147 : memref<10000xi32, #tpu.memory_space<hbm>>) target(%arg11 : memref<10000xi32, #tpu.memory_space<vmem>>) target_semaphore(%arg20 : memref<!tpu.dma_semaphore, #tpu.memory_space<semaphore_mem>>)
        %add3A_148 = arith.constant 4 : i32
        %add3A_149 = arith.addi %add3A_52, %add3A_148 : i32
        %add3A_150 = arith.constant 1 : i32
        %add3A_151 = arith.addi %add3A_149, %add3A_150 : i32
        %mul3A_152 = arith.constant 10000 : i32
        %mul3A_153 = arith.muli %add3A_151, %mul3A_152 : i32
        %add3A_154 = arith.addi %mul3A_2, %mul3A_153 : i32
        %dma_start3A_155 = tpu.memref_slice %arg2[%add3A_154] : memref<6400000xi32, #tpu.memory_space<hbm>> -> memref<10000xi32, #tpu.memory_space<hbm>>
        %dma_start3A_156 = tpu.memref_slice %arg2[%add3A_154] : memref<6400000xi32, #tpu.memory_space<hbm>> -> memref<10000xi32, #tpu.memory_space<hbm>>
        tpu.enqueue_dma source(%dma_start3A_156 : memref<10000xi32, #tpu.memory_space<hbm>>) target(%arg8 : memref<10000xi32, #tpu.memory_space<vmem>>) target_semaphore(%arg21 : memref<!tpu.dma_semaphore, #tpu.memory_space<semaphore_mem>>)
        %dma_start3A_157 = tpu.memref_slice %arg3[%add3A_154] : memref<6400000xi32, #tpu.memory_space<hbm>> -> memref<10000xi32, #tpu.memory_space<hbm>>
        %dma_start3A_158 = tpu.memref_slice %arg3[%add3A_154] : memref<6400000xi32, #tpu.memory_space<hbm>> -> memref<10000xi32, #tpu.memory_space<hbm>>
        tpu.enqueue_dma source(%dma_start3A_158 : memref<10000xi32, #tpu.memory_space<hbm>>) target(%arg12 : memref<10000xi32, #tpu.memory_space<vmem>>) target_semaphore(%arg21 : memref<!tpu.dma_semaphore, #tpu.memory_space<semaphore_mem>>)
      } else {
      }
      %barrier3A_91 = arith.constant 0 : index
      tpu.barrier barrier_id(%barrier3A_91)
      %add3A_92 = arith.constant 2 : i32
      %add3A_93 = arith.addi %add3A_50, %add3A_92 : i32
      %add3A_94 = arith.constant 0 : i32
      %add3A_95 = arith.addi %add3A_93, %add3A_94 : i32
      %mul3A_96 = arith.constant 10000 : i32
      %mul3A_97 = arith.muli %add3A_95, %mul3A_96 : i32
      %add3A_98 = arith.addi %mul3A_2, %mul3A_97 : i32
      %dma_wait3A_99 = tpu.memref_slice %arg2[%add3A_98] : memref<6400000xi32, #tpu.memory_space<hbm>> -> memref<10000xi32, #tpu.memory_space<hbm>>
      %dma_wait3A_100 = tpu.memref_slice %arg2[%add3A_98] : memref<6400000xi32, #tpu.memory_space<hbm>> -> memref<10000xi32, #tpu.memory_space<hbm>>
      tpu.wait_dma2 semaphore(%arg22 : memref<!tpu.dma_semaphore, #tpu.memory_space<semaphore_mem>>) src(%dma_wait3A_100 : memref<10000xi32, #tpu.memory_space<hbm>>) dst(%arg9 : memref<10000xi32, #tpu.memory_space<vmem>>)
      %dma_wait3A_101 = tpu.memref_slice %arg3[%add3A_98] : memref<6400000xi32, #tpu.memory_space<hbm>> -> memref<10000xi32, #tpu.memory_space<hbm>>
      %dma_wait3A_102 = tpu.memref_slice %arg3[%add3A_98] : memref<6400000xi32, #tpu.memory_space<hbm>> -> memref<10000xi32, #tpu.memory_space<hbm>>
      tpu.wait_dma2 semaphore(%arg22 : memref<!tpu.dma_semaphore, #tpu.memory_space<semaphore_mem>>) src(%dma_wait3A_102 : memref<10000xi32, #tpu.memory_space<hbm>>) dst(%arg13 : memref<10000xi32, #tpu.memory_space<vmem>>)
      %dma_start3A_103 = arith.constant 0 : i32
      %dma_start3A_104 = tpu.memref_slice %arg18[%dma_start3A_103] : memref<100096xf32, #tpu.memory_space<vmem_shared>> -> memref<100096xf32, #tpu.memory_space<vmem_shared>>
      tpu.enqueue_indirect_dma source(%dma_start3A_104 : memref<100096xf32, #tpu.memory_space<vmem_shared>>) target(%arg15 : memref<10000xf32, #tpu.memory_space<vmem>>) offsets(%arg9 : memref<10000xi32, #tpu.memory_space<vmem>>) semaphore(%arg24 : memref<!tpu.dma_semaphore, #tpu.memory_space<semaphore_mem>>)
      %add3A_105 = arith.constant 1 : i32
      %add3A_106 = arith.addi %add3A_93, %add3A_105 : i32
      %mul3A_107 = arith.constant 10000 : i32
      %mul3A_108 = arith.muli %add3A_106, %mul3A_107 : i32
      %add3A_109 = arith.addi %mul3A_2, %mul3A_108 : i32
      %dma_wait3A_110 = tpu.memref_slice %arg2[%add3A_109] : memref<6400000xi32, #tpu.memory_space<hbm>> -> memref<10000xi32, #tpu.memory_space<hbm>>
      %dma_wait3A_111 = tpu.memref_slice %arg2[%add3A_109] : memref<6400000xi32, #tpu.memory_space<hbm>> -> memref<10000xi32, #tpu.memory_space<hbm>>
      tpu.wait_dma2 semaphore(%arg23 : memref<!tpu.dma_semaphore, #tpu.memory_space<semaphore_mem>>) src(%dma_wait3A_111 : memref<10000xi32, #tpu.memory_space<hbm>>) dst(%arg10 : memref<10000xi32, #tpu.memory_space<vmem>>)
      %dma_wait3A_112 = tpu.memref_slice %arg3[%add3A_109] : memref<6400000xi32, #tpu.memory_space<hbm>> -> memref<10000xi32, #tpu.memory_space<hbm>>
      %dma_wait3A_113 = tpu.memref_slice %arg3[%add3A_109] : memref<6400000xi32, #tpu.memory_space<hbm>> -> memref<10000xi32, #tpu.memory_space<hbm>>
      tpu.wait_dma2 semaphore(%arg23 : memref<!tpu.dma_semaphore, #tpu.memory_space<semaphore_mem>>) src(%dma_wait3A_113 : memref<10000xi32, #tpu.memory_space<hbm>>) dst(%arg14 : memref<10000xi32, #tpu.memory_space<vmem>>)
      %dma_start3A_114 = arith.constant 0 : i32
      %dma_start3A_115 = tpu.memref_slice %arg18[%dma_start3A_114] : memref<100096xf32, #tpu.memory_space<vmem_shared>> -> memref<100096xf32, #tpu.memory_space<vmem_shared>>
      tpu.enqueue_indirect_dma source(%dma_start3A_115 : memref<100096xf32, #tpu.memory_space<vmem_shared>>) target(%arg16 : memref<10000xf32, #tpu.memory_space<vmem>>) offsets(%arg10 : memref<10000xi32, #tpu.memory_space<vmem>>) semaphore(%arg25 : memref<!tpu.dma_semaphore, #tpu.memory_space<semaphore_mem>>)
      %dma_wait3A_116 = arith.constant 0 : i32
      %dma_wait3A_117 = tpu.memref_slice %arg18[%dma_wait3A_116] : memref<100096xf32, #tpu.memory_space<vmem_shared>> -> memref<100096xf32, #tpu.memory_space<vmem_shared>>
      tpu.wait_indirect_dma semaphore(%arg24 : memref<!tpu.dma_semaphore, #tpu.memory_space<semaphore_mem>>) src(%dma_wait3A_117 : memref<100096xf32, #tpu.memory_space<vmem_shared>>) dst(%arg15 : memref<10000xf32, #tpu.memory_space<vmem>>)
      %dma_wait3A_118 = arith.constant 0 : i32
      %dma_wait3A_119 = tpu.memref_slice %arg18[%dma_wait3A_118] : memref<100096xf32, #tpu.memory_space<vmem_shared>> -> memref<100096xf32, #tpu.memory_space<vmem_shared>>
      tpu.wait_indirect_dma semaphore(%arg25 : memref<!tpu.dma_semaphore, #tpu.memory_space<semaphore_mem>>) src(%dma_wait3A_119 : memref<100096xf32, #tpu.memory_space<vmem_shared>>) dst(%arg16 : memref<10000xf32, #tpu.memory_space<vmem>>)
      %barrier3A_120 = arith.constant 0 : index
      tpu.barrier barrier_id(%barrier3A_120)
      %dma_start3A_121 = arith.constant 0 : i32
      %dma_start3A_122 = tpu.memref_slice %arg17[%dma_start3A_121] : memref<100096xf32, #tpu.memory_space<vmem_shared>> -> memref<100096xf32, #tpu.memory_space<vmem_shared>>
      tpu.enqueue_indirect_dma source(%arg15 : memref<10000xf32, #tpu.memory_space<vmem>>) target(%dma_start3A_122 : memref<100096xf32, #tpu.memory_space<vmem_shared>>) offsets(%arg13 : memref<10000xi32, #tpu.memory_space<vmem>>) semaphore(%arg26 : memref<!tpu.dma_semaphore, #tpu.memory_space<semaphore_mem>>) {add = true}
      %dma_start3A_123 = arith.constant 0 : i32
      %dma_start3A_124 = tpu.memref_slice %arg17[%dma_start3A_123] : memref<100096xf32, #tpu.memory_space<vmem_shared>> -> memref<100096xf32, #tpu.memory_space<vmem_shared>>
      tpu.enqueue_indirect_dma source(%arg16 : memref<10000xf32, #tpu.memory_space<vmem>>) target(%dma_start3A_124 : memref<100096xf32, #tpu.memory_space<vmem_shared>>) offsets(%arg14 : memref<10000xi32, #tpu.memory_space<vmem>>) semaphore(%arg27 : memref<!tpu.dma_semaphore, #tpu.memory_space<semaphore_mem>>) {add = true}
      %dma_wait3A_125 = arith.constant 0 : i32
      %dma_wait3A_126 = tpu.memref_slice %arg17[%dma_wait3A_125] : memref<100096xf32, #tpu.memory_space<vmem_shared>> -> memref<100096xf32, #tpu.memory_space<vmem_shared>>
      tpu.wait_indirect_dma semaphore(%arg26 : memref<!tpu.dma_semaphore, #tpu.memory_space<semaphore_mem>>) src(%arg15 : memref<10000xf32, #tpu.memory_space<vmem>>) dst(%dma_wait3A_126 : memref<100096xf32, #tpu.memory_space<vmem_shared>>)
      %dma_wait3A_127 = arith.constant 0 : i32
      %dma_wait3A_128 = tpu.memref_slice %arg17[%dma_wait3A_127] : memref<100096xf32, #tpu.memory_space<vmem_shared>> -> memref<100096xf32, #tpu.memory_space<vmem_shared>>
      tpu.wait_indirect_dma semaphore(%arg27 : memref<!tpu.dma_semaphore, #tpu.memory_space<semaphore_mem>>) src(%arg16 : memref<10000xf32, #tpu.memory_space<vmem>>) dst(%dma_wait3A_128 : memref<100096xf32, #tpu.memory_space<vmem_shared>>)
      %add3A_129 = arith.constant 4 : i32
      %add3A_130 = arith.addi %add3A_93, %add3A_129 : i32
      %lt3A_131 = arith.constant 20 : i32
      %lt3A_132 = arith.cmpi slt, %add3A_130, %lt3A_131 : i32
      %convert_element_type3A_133 = arith.extui %lt3A_132 : i1 to i32
      %cond3A_134 = arith.constant 0 : i32
      %cond3A_135 = arith.cmpi ne, %convert_element_type3A_133, %cond3A_134 : i32
      scf.if %cond3A_135 {
        %add3A_137 = arith.constant 4 : i32
        %add3A_138 = arith.addi %add3A_93, %add3A_137 : i32
        %add3A_139 = arith.constant 0 : i32
        %add3A_140 = arith.addi %add3A_138, %add3A_139 : i32
        %mul3A_141 = arith.constant 10000 : i32
        %mul3A_142 = arith.muli %add3A_140, %mul3A_141 : i32
        %add3A_143 = arith.addi %mul3A_2, %mul3A_142 : i32
        %dma_start3A_144 = tpu.memref_slice %arg2[%add3A_143] : memref<6400000xi32, #tpu.memory_space<hbm>> -> memref<10000xi32, #tpu.memory_space<hbm>>
        %dma_start3A_145 = tpu.memref_slice %arg2[%add3A_143] : memref<6400000xi32, #tpu.memory_space<hbm>> -> memref<10000xi32, #tpu.memory_space<hbm>>
        tpu.enqueue_dma source(%dma_start3A_145 : memref<10000xi32, #tpu.memory_space<hbm>>) target(%arg9 : memref<10000xi32, #tpu.memory_space<vmem>>) target_semaphore(%arg22 : memref<!tpu.dma_semaphore, #tpu.memory_space<semaphore_mem>>)
        %dma_start3A_146 = tpu.memref_slice %arg3[%add3A_143] : memref<6400000xi32, #tpu.memory_space<hbm>> -> memref<10000xi32, #tpu.memory_space<hbm>>
        %dma_start3A_147 = tpu.memref_slice %arg3[%add3A_143] : memref<6400000xi32, #tpu.memory_space<hbm>> -> memref<10000xi32, #tpu.memory_space<hbm>>
        tpu.enqueue_dma source(%dma_start3A_147 : memref<10000xi32, #tpu.memory_space<hbm>>) target(%arg13 : memref<10000xi32, #tpu.memory_space<vmem>>) target_semaphore(%arg22 : memref<!tpu.dma_semaphore, #tpu.memory_space<semaphore_mem>>)
        %add3A_148 = arith.constant 4 : i32
        %add3A_149 = arith.addi %add3A_93, %add3A_148 : i32
        %add3A_150 = arith.constant 1 : i32
        %add3A_151 = arith.addi %add3A_149, %add3A_150 : i32
        %mul3A_152 = arith.constant 10000 : i32
        %mul3A_153 = arith.muli %add3A_151, %mul3A_152 : i32
        %add3A_154 = arith.addi %mul3A_2, %mul3A_153 : i32
        %dma_start3A_155 = tpu.memref_slice %arg2[%add3A_154] : memref<6400000xi32, #tpu.memory_space<hbm>> -> memref<10000xi32, #tpu.memory_space<hbm>>
        %dma_start3A_156 = tpu.memref_slice %arg2[%add3A_154] : memref<6400000xi32, #tpu.memory_space<hbm>> -> memref<10000xi32, #tpu.memory_space<hbm>>
        tpu.enqueue_dma source(%dma_start3A_156 : memref<10000xi32, #tpu.memory_space<hbm>>) target(%arg10 : memref<10000xi32, #tpu.memory_space<vmem>>) target_semaphore(%arg23 : memref<!tpu.dma_semaphore, #tpu.memory_space<semaphore_mem>>)
        %dma_start3A_157 = tpu.memref_slice %arg3[%add3A_154] : memref<6400000xi32, #tpu.memory_space<hbm>> -> memref<10000xi32, #tpu.memory_space<hbm>>
        %dma_start3A_158 = tpu.memref_slice %arg3[%add3A_154] : memref<6400000xi32, #tpu.memory_space<hbm>> -> memref<10000xi32, #tpu.memory_space<hbm>>
        tpu.enqueue_dma source(%dma_start3A_158 : memref<10000xi32, #tpu.memory_space<hbm>>) target(%arg14 : memref<10000xi32, #tpu.memory_space<vmem>>) target_semaphore(%arg23 : memref<!tpu.dma_semaphore, #tpu.memory_space<semaphore_mem>>)
      } else {
      }
      %barrier3A_136 = arith.constant 0 : index
      tpu.barrier barrier_id(%barrier3A_136)
    }
    %scan3A_37 = arith.constant 5 : i32
    %barrier3A_38 = arith.constant 0 : index
    tpu.barrier barrier_id(%barrier3A_38)
    %mul3A_39 = arith.constant 6256 : i32
    %mul3A_40 = arith.muli %arg1, %mul3A_39 : i32
    "tpu.region"() ({
      %run_scoped3A = tpu.sem_alloc : memref<!tpu.dma_semaphore, #tpu.memory_space<semaphore_mem>>
      %dma_start3A_46 = tpu.memref_slice %arg17[%mul3A_40] : memref<100096xf32, #tpu.memory_space<vmem_shared>> -> memref<6256xf32, #tpu.memory_space<vmem_shared>>
      %dma_start3A_47 = tpu.memref_slice %arg17[%mul3A_40] : memref<100096xf32, #tpu.memory_space<vmem_shared>> -> memref<6256xf32, #tpu.memory_space<vmem_shared>>
      tpu.enqueue_dma source(%dma_start3A_47 : memref<6256xf32, #tpu.memory_space<vmem_shared>>) target(%arg19 : memref<6256xf32, #tpu.memory_space<vmem>>) target_semaphore(%run_scoped3A : memref<!tpu.dma_semaphore, #tpu.memory_space<semaphore_mem>>)
      %dma_wait3A = tpu.memref_slice %arg17[%mul3A_40] : memref<100096xf32, #tpu.memory_space<vmem_shared>> -> memref<6256xf32, #tpu.memory_space<vmem_shared>>
      %dma_wait3A_48 = tpu.memref_slice %arg17[%mul3A_40] : memref<100096xf32, #tpu.memory_space<vmem_shared>> -> memref<6256xf32, #tpu.memory_space<vmem_shared>>
      tpu.wait_dma2 semaphore(%run_scoped3A : memref<!tpu.dma_semaphore, #tpu.memory_space<semaphore_mem>>) src(%dma_wait3A_48 : memref<6256xf32, #tpu.memory_space<vmem_shared>>) dst(%arg19 : memref<6256xf32, #tpu.memory_space<vmem>>)
      tpu.yield
    }) : () -> ()
    %mul3A_41 = arith.constant 100096 : i32
    %mul3A_42 = arith.muli %arg0, %mul3A_41 : i32
    %mul3A_43 = arith.constant 6256 : i32
    %mul3A_44 = arith.muli %arg1, %mul3A_43 : i32
    %add3A_45 = arith.addi %mul3A_42, %mul3A_44 : i32
    "tpu.region"() ({
      %run_scoped3A = tpu.sem_alloc : memref<!tpu.dma_semaphore, #tpu.memory_space<semaphore_mem>>
      %dma_start3A_46 = tpu.memref_slice %arg6[%add3A_45] : memref<200192xf32, #tpu.memory_space<hbm>> -> memref<6256xf32, #tpu.memory_space<hbm>>
      %dma_start3A_47 = tpu.memref_slice %arg6[%add3A_45] : memref<200192xf32, #tpu.memory_space<hbm>> -> memref<6256xf32, #tpu.memory_space<hbm>>
      tpu.enqueue_dma source(%arg19 : memref<6256xf32, #tpu.memory_space<vmem>>) target(%dma_start3A_47 : memref<6256xf32, #tpu.memory_space<hbm>>) target_semaphore(%run_scoped3A : memref<!tpu.dma_semaphore, #tpu.memory_space<semaphore_mem>>)
      %dma_wait3A = tpu.memref_slice %arg6[%add3A_45] : memref<200192xf32, #tpu.memory_space<hbm>> -> memref<6256xf32, #tpu.memory_space<hbm>>
      %dma_wait3A_48 = tpu.memref_slice %arg6[%add3A_45] : memref<200192xf32, #tpu.memory_space<hbm>> -> memref<6256xf32, #tpu.memory_space<hbm>>
      tpu.wait_dma2 semaphore(%run_scoped3A : memref<!tpu.dma_semaphore, #tpu.memory_space<semaphore_mem>>) src(%arg19 : memref<6256xf32, #tpu.memory_space<vmem>>) dst(%dma_wait3A_48 : memref<6256xf32, #tpu.memory_space<hbm>>)
      tpu.yield
    }) : () -> ()
    return
  }
}

</mosaic_0001>

<sc_bundles>
// kernel: body.7.cloned.1.call-start
scs
__scs_entry_jumppad:
0x0: {  	(pc) =	sbr.rel $0x88, $3  }
0x1: {  	(tag) =	ssettag $0x0;
	lr =	simm.s32 $0x1  }
0x2: {  	[smem:$0x3F9C] =	sst lr;
	_ =	strace $0xD0000000  }
0x3: {  	_ = 	snop  }
0x4: {  	_ = 	snop  }
0x5: {  	_ = 	snop  }
0x6: {  	_ = 	snop  }
0x7: {  	_ = 	snop  }
__scs_overlays_trampoline_lowered:
0x8: {  	[smem:$0x3FAB] =	sst s0  }
0x9: {  	[smem:$0x3FAC] =	sst s1  }
0xa: {  	[smem:$0x3FAD] =	sst s2  }
0xb: {  	[smem:$0x3FAE] =	sst s3  }
0xc: {  	[smem:$0x3FAF] =	sst s4  }
0xd: {  	[smem:$0x3FB0] =	sst s5  }
0xe: {  	[smem:$0x3FB1] =	sst s6  }
0xf: {  	[smem:$0x3FB2] =	sst s7  }
0x10: {  	[smem:$0x3FB3] =	sst s8  }
0x11: {  	[smem:$0x3FB4] =	sst s9;
	s0 =	simm.s32 @!p0 $0x0  }
0x12: {  	s1 =	sld [smem:$0x3F9A];
	s0 =	simm.s32 @p0 $0x1  }
0x13: {  	[smem:$0x3FB5] =	sst s0;
	s0 =	simm.s32 @!p1 $0x0  }
0x14: {  	s2 =	sld [smem:$0x3F99];
	s0 =	simm.s32 @p1 $0x1  }
0x15: {  	[smem:$0x3FB6] =	sst s0;
	s0 =	simm.s32 @!p2 $0x0  }
0x16: {  	s3 =	sld [smem:$0x3FDB];
	s0 =	simm.s32 @p2 $0x1  }
0x17: {  	s4 =	simm.s32 $0x1BF5;
	[smem:$0x3FB8] =	sst s0  }
0x18: {  	s0 =	sld [smem:$0x3F9B];
	_ =	swait.ge [sflag:s4], $0x0  }
0x19: {  	s7 =	sld [smem:$0x3F9C]  }
0x1a: {  	s8 =	sadd.s32 $0xFFFFE003, lr  }
0x1b: {  	s9 =	sadd.s32 $0xFFFFFEF7, lr;
	s5 =	simm.s32 $0xFFFFFFFF;
	p2 =	slt.u32 s8, $0xFFFFF086  }
0x1c: {  	p1 =	slt.u32 s9, $0xF7A;
	s5 =	simm.s32 @!p2 $0x0  }
0x1d: {  	s5 =	simm.s32 @p1 $0x1;
	p0 =	seq.s32 s7, s2  }
0x1e: {  	s7 =	smul.u32 @!p0 $0xF7A, s2;
	p2 =	seq.s32 @!p0 s5, $0x0  }
0x1f: {  	s9 =	smul.u32 $0xF7A, s1;
	s8 =	simm.s32 @!p0 $0x1BF5;
	p2 =	por !p2, p0  }
0x20: {  	[sflag:s8] =	ssyncset.s32 @!p0 $0xFFFFF086;
	s6 =	sadd.s32 @!p0 s3, s7;
	s7 =	simm.s32 @!p0 $0x108  }
0x21: {  	s3 =	sadd.s32 s3, s9;
	s6 =	sadd.s32 @!p0 $0x88, s6;
	s7 =	simm.s32 @p2 $0x1082  }
0x22: {  	[simem:s7], [sflag:s8] =	dma.local @!p0 [hbm:s6], $0xF7A  }
0x23: {  	s9 =	sor.u32 $0xD0000000, s2;
	s6 =	simm.s32 $0x108;
	_ =	swait.ge @!p0 [sflag:s8], $0x0  }
0x24: {  	s3 =	sadd.s32 $0x88, s3;
	s6 =	simm.s32 @!p1 $0x1082;
	[sflag:s4] =	ssyncset.s32 $0xFFFFF086  }
0x25: {  	[simem:s6], [sflag:s4] =	dma.local [hbm:s3], $0xF7A  }
0x26: {  	[smem:$0x3F9C] =	sst s1;
	(tag) =	ssettag s2;
	_ =	strace s9  }
0x27: {  	s1 =	sld [smem:$0x3FAC]  }
0x28: {  	s2 =	sld [smem:$0x3FAD]  }
0x29: {  	s4 =	sld [smem:$0x3FAF]  }
0x2a: {  	p0 =	seq.s32 s5, $0x0;
	s5 =	sld [smem:$0x3FB0]  }
0x2b: {  	s6 =	sld [smem:$0x3FB1]  }
0x2c: {  	s7 =	sld [smem:$0x3FB2]  }
0x2d: {  	s3 =	simm.s32 $0x108;
	s8 =	sld [smem:$0x3FB3]  }
0x2e: {  	s3 =	simm.s32 @!p0 $0x1082;
	s9 =	sld [smem:$0x3FB4]  }
0x2f: {  	lr =	sadd.s32 s0, s3;
	s0 =	sld [smem:$0x3FAB]  }
0x30: {  	s3 =	sld [smem:$0x3FAE]  }
0x31: {  	[smem:$0x3FB7] =	sst s10  }
0x32: {  	s10 =	sld [smem:$0x3FB5];
	_ =	sdelay $0x3  }
0x33: {  	p0 =	seq.s32 s10, $0x1;
	s10 =	sld [smem:$0x3FB7];
	_ =	sdelay $0x3  }
0x34: {  	[smem:$0x3FB7] =	sst s10  }
0x35: {  	s10 =	sld [smem:$0x3FB6];
	_ =	sdelay $0x3  }
0x36: {  	p1 =	seq.s32 s10, $0x1;
	s10 =	sld [smem:$0x3FB7];
	_ =	sdelay $0x3  }
0x37: {  	[smem:$0x3FB7] =	sst s10  }
0x38: {  	s10 =	sld [smem:$0x3FB8]  }
0x39: {  	_ = 	snop;
	(pc) =	sbr.ind lr, $3  }
0x3a: {  	_ = 	snop  }
0x3b: {  	_ = 	snop  }
0x3c: {  	p2 =	seq.s32 s10, $0x1;
	s10 =	sld [smem:$0x3FB7]  }
0x3d: {  	_ =	shalt  }
0x3e: {  	_ =	shalt  }
0x3f: {  	_ =	shalt  }
0x40: {  	_ =	shalt  }
0x41: {  	_ =	shalt  }
0x42: {  	_ =	shalt  }
0x43: {  	_ =	shalt  }
0x44: {  	_ =	shalt  }
0x45: {  	_ =	shalt  }
0x46: {  	_ =	shalt  }
0x47: {  	_ =	shalt  }
0x48: {  	_ =	shalt  }
0x49: {  	_ =	shalt  }
0x4a: {  	_ =	shalt  }
0x4b: {  	_ =	shalt  }
0x4c: {  	_ =	shalt  }
0x4d: {  	_ =	shalt  }
0x4e: {  	_ =	shalt  }
0x4f: {  	_ =	shalt  }
0x50: {  	_ =	shalt  }
0x51: {  	_ =	shalt  }
0x52: {  	_ =	shalt  }
0x53: {  	_ =	shalt  }
0x54: {  	_ =	shalt  }
0x55: {  	_ =	shalt  }
0x56: {  	_ =	shalt  }
0x57: {  	_ =	shalt  }
0x58: {  	_ =	shalt  }
0x59: {  	_ =	shalt  }
0x5a: {  	_ =	shalt  }
0x5b: {  	_ =	shalt  }
0x5c: {  	_ =	shalt  }
0x5d: {  	_ =	shalt  }
0x5e: {  	_ =	shalt  }
0x5f: {  	_ =	shalt  }
0x60: {  	_ =	shalt  }
0x61: {  	_ =	shalt  }
0x62: {  	_ =	shalt  }
0x63: {  	_ =	shalt  }
0x64: {  	_ =	shalt  }
0x65: {  	_ =	shalt  }
0x66: {  	_ =	shalt  }
0x67: {  	_ =	shalt  }
0x68: {  	_ =	shalt  }
0x69: {  	_ =	shalt  }
0x6a: {  	_ =	shalt  }
0x6b: {  	_ =	shalt  }
0x6c: {  	_ =	shalt  }
0x6d: {  	_ =	shalt  }
0x6e: {  	_ =	shalt  }
0x6f: {  	_ =	shalt  }
0x70: {  	_ =	shalt  }
0x71: {  	_ =	shalt  }
0x72: {  	_ =	shalt  }
0x73: {  	_ =	shalt  }
0x74: {  	_ =	shalt  }
0x75: {  	_ =	shalt  }
0x76: {  	_ =	shalt  }
0x77: {  	_ =	shalt  }
0x78: {  	_ =	shalt  }
0x79: {  	_ =	shalt  }
0x7a: {  	_ =	shalt  }
0x7b: {  	_ =	shalt  }
0x7c: {  	_ =	shalt  }
0x7d: {  	_ =	shalt  }
0x7e: {  	_ =	shalt  }
0x7f: {  	_ =	shalt  }
0x80: {  	_ =	shalt  }
0x81: {  	_ =	shalt  }
0x82: {  	_ =	shalt  }
0x83: {  	_ =	shalt  }
0x84: {  	_ =	shalt  }
0x85: {  	_ =	shalt  }
0x86: {  	_ =	shalt  }
0x87: {  	_ =	shalt  }
.Lfunc_end0:
.L_simem_size_0:
called_computation_lowered:
.L_overlay_start_0:
0x88: {  	s2 =	sld [smem:$0x3FD9]  }
0x89: {  	s3 =	sld [smem:$0x3FFE];
	_ =	sdelay $0x1  }
0x8a: {  	s1 =	srdreg.scid  }
0x8b: {  	s0 =	sand.u32 $0x1, s1  }
0x8c: {  	s17 =	sshll.u32 s0, $0xA;
	s2 =	sadd.s32 s3, s2  }
0x8d: {  	s2 =	sadd.s32 s2, s17  }
0x8e: {  	[smem:$0x3FC3] =	sst s2  }
0x8f: {  	_ = 	snop  }
0x90: {  	s2 =	sld [smem:$0x3FC9]  }
0x91: {  	s18 =	sld [smem:$0x3FC8]  }
0x92: {  	s4 =	sld [smem:$0x3FD0];
	(tm) =	ssettm $0x1  }
0x93: {  	s5 =	sld [smem:$0x3FFB];
	_ =	sdelay $0x3  }
0x94: {  	_ =	strace s5  }
0x95: {  	s5 =	sld [smem:$0x3FFC];
	_ =	sdelay $0x3  }
0x96: {  	_ =	strace s5  }
0x97: {  	s5 =	sld [smem:$0x3FFD];
	_ =	sdelay $0x3  }
0x98: {  	_ =	strace s5  }
0x99: {  	_ =	strace $0x8FFFFFFF  }
0x9a: {  	s19 =	sld [smem:$0x3FDB];
	_ =	sdelay $0x1  }
0x9b: {  	s6 =	simm.s32 $_scs_section_size  }
0x9c: {  	s7 =	simm.s32 $_size__tile_overlayer_lowered;
	s8 =	simm.s32 $_tile_overlayer_lowered  }
0x9d: {  	s22 =	simm.s32 $0x1BFF;
	s21 =	sshll.u32 s8, $0x1;
	s5 =	sadd.s32 s6, s19  }
0x9e: {  	s9 =	simm.s32 $0x0;
	s20 =	sshll.u32 s7, $0x1;
	s7 =	sadd.s32 s21, s5  }
0x9f: {  	[timem:s9], [sflag:s22] =	dma.local [hbm:s7], s20  }
0xa0: {  	_ =	swait.ge [sflag:s22], s20  }
0xa1: {  	s6 =	ssub.s32 $0x0, s20;
	[sflag:s22] =	ssyncset.done $0x0  }
0xa2: {  	[sflag:s22] =	ssyncadd.s32 s6;
	_ =	sdelay $0x1  }
0xa3: {  	s23 =	simm.s32 $0x1B8B  }
0xa4: {  	_ =	swait.ge [sflag:s23], $0x1  }
0xa5: {  	[sflag:s23] =	ssyncset.done $0x0  }
0xa6: {  	s25 =	simm.s32 $0x1B8E;
	s24 =	sld [smem:$0x3FFE];
	[sflag:s23] =	ssyncadd.s32 $0xFFFFFFFF  }
0xa7: {  	s26 =	simm.s32 $execute0_lowered;
	[smem:$0x3FD2] =	sst s25  }
0xa8: {  	s7 =	sshll.u32 s26, $0x1;
	_ =	strace $0x80000049;
	[dreg:$0x1] =	wrdreg $0xFFFFFFFF  }
0xa9: {  	s28 =	simm.s32 $_size_execute0_lowered;
	s5 =	sadd.s32 s5, s7;
	[dreg:$0x0] =	wrdreg $0x0  }
0xaa: {  	s7 =	sshll.u32 s28, $0x1;
	[dreg:$0x2] =	wrdreg s5  }
0xab: {  	[dreg:$0x3] =	wrdreg s7  }
0xac: {  	[dreg:$0x4] =	wrdreg $0xC0  }
0xad: {  	_ =	task [dreg:s9], $0x5FFFF  }
0xae: {  	[dreg:$0x1] =	wrdreg $0xFFFFFFFF  }
0xaf: {  	[dreg:$0x0] =	wrdreg $0x60  }
0xb0: {  	[dreg:$0x2] =	wrdreg s2  }
0xb1: {  	[dreg:$0x3] =	wrdreg s18  }
0xb2: {  	[dreg:$0x4] =	wrdreg s4  }
0xb3: {  	[dreg:$0x5] =	wrdreg s24  }
0xb4: {  	[dreg:$0x6] =	wrdreg $0x1A3700  }
0xb5: {  	[dreg:$0x7] =	wrdreg $0x18B000  }
0xb6: {  	[dreg:$0x8] =	wrdreg $0x9  }
0xb7: {  	_ =	task.clear_ibuf [dreg:s9], $0x9FFFF;
	_ =	strace $0x90000049  }
0xb8: {  	s29 =	simm.s32 $0x9;
	_ =	strace $0x8000004B  }
0xb9: {  	_ =	swait.ge [sflag:s29], $0x1  }
0xba: {  	[sflag:s29] =	ssyncadd.s32 $0xFFFFFFFF  }
0xbb: {  	_ =	strace $0x9000004B  }
0xbc: {  	_ =	sfence  }
0xbd: {  	s30 =	sld [smem:$0x0];
	_ =	sdelay $0x2  }
0xbe: {  	s31 =	sshll.u32 s1, $0xD;
	s1 =	sshrl.u32 s1, $0x2  }
0xbf: {  	s3 =	sand.u32 $0x4000, s31;
	s1 =	sadd.s32 s1, s30  }
0xc0: {  	s0 =	sor.u32 s3, s0;
	s1 =	sshll.u32 s1, $0x11  }
0xc1: {  	s0 =	sor.u32 s1, s0  }
0xc2: {  	s0 =	sadd.s32 $0x8F2B, s0  }
0xc3: {  	[sflag:s0] =	ssyncadd.remote.s32 $0x1  }
0xc4: {  	_ =	sfence.sel $0xFFFF  }
0xc5: {  	[dreg:$0x0] =	wrdreg $0xFFFFFFFF;
	(pc) =	sbr.abs _section_cstart, $3  }
0xc6: {  	[dreg:$0x1] =	wrdreg $0xFFFFFFFF  }
0xc7: {  	_ =	task.clear_ibuf [dreg:s9], $0x2FFFF;
	_ =	strace $0x9FFFFFFF  }
0xc8: {  	(tm) =	ssettm $0x7FFFFFFF  }
0xc9: {  	_ =	shalt  }
tec
execute0_lowered:
.L_overlay_start_1:
0x0: {  	(tag) =	ssettag $0x1  }
0x1: {  	s1 =	rddreg [dreg:$0x0]  }
0x2: {  	s2 =	rddreg [dreg:$0x1]  }
0x3: {  	s0 =	rddreg [dreg:$0x2]  }
0x4: {  	s3 =	rddreg [dreg:$0x3]  }
0x5: {  	s4 =	rddreg [dreg:$0x4]  }
0x6: {  	s5 =	rddreg [dreg:$0x5]  }
0x7: {  	s15 =	stileid.u32;
	s7 =	srdreg.scid  }
0x8: {  	s6 =	simm.s32 $0x0;
	s30 =	simm.s32 $0x9;
	s8 =	smul.u32 $0x1870, s15  }
0x9: {  	s28 =	simm.s32 $0x3;
	s7 =	sand.u32 $0x1, s7;
	s23 =	smul.u32 $0x30D40, s15  }
0xa: {  	s31 =	simm.s32 $0x0;
	[smem:$0x7FF] =	sst s6;
	s9 =	smul.u32 $0x18700, s7  }
0xb: {  	s10 =	sshll.u32 s7, $0x4;
	_ =	strace $0x8000004A;
	s12 =	ssub.s32 $0x2, s7  }
0xc: {  	s7 =	smul.u32 $0x30D400, s7;
	s11 =	sshrl.u32 s8, $0x3;
	s10 =	sor.u32 s15, s10  }
0xd: {  	s14 =	sshrl.u32 s12, $0x1;
	s17 =	sadd.s32 s8, s4;
	s29 =	sadd.s32 s8, s5  }
0xe: {  	s9 =	sadd.s32 s8, s9;
	s10 =	smul.u32 $0x30D40, s10;
	s13 =	sadd.s32 s11, s3  }
0xf: {  	s16 =	ssub.s32 s12, s14;
	s0 =	sadd.s32 s0, s11;
	[dreg:$0x8] =	wrdreg s17  }
0x10: {  	s7 =	sadd.s32 s23, s7;
	s8 =	simm.s32 $0xED00;
	[dreg:$0x12] =	wrdreg s29  }
0x11: {  	s12 =	simm.s32 $0x2710;
	s9 =	sshrl.u32 s9, $0x3;
	[dreg:$0x7] =	wrdreg s0  }
0x12: {  	s13 =	sadd.s32 $0x600, s13;
	s14 =	sadd.s32 $0x11170, s7;
	s15 =	smax.u32 s16, $0x1  }
0x13: {  	s16 =	sadd.s32 $0xEA60, s7;
	s3 =	sadd.s32 s9, s3;
	[dreg:$0x11] =	wrdreg s13  }
0x14: {  	s10 =	sshrl.u32 s10, $0x3;
	[dreg:$0x14] =	wrdreg s15;
	s17 =	sshrl.u32 s16, $0x3  }
0x15: {  	s9 =	simm.s32 $0x7680;
	s13 =	simm.s32 $0x13C00;
	s15 =	simm.s32 $0x16380  }
0x16: {  	s16 =	simm.s32 $0x5;
	s18 =	sadd.s32 s1, s10;
	s19 =	sadd.s32 s2, s10  }
0x17: {  	s20 =	sadd.s32 $0x4E2, s10;
	s22 =	sadd.s32 $0x9C4, s10;
	[dreg:$0x9] =	wrdreg s18  }
0x18: {  	s25 =	sadd.s32 $0xEA6, s10;
	s3 =	sadd.s32 $0x9E00, s3;
	[dreg:$0xa] =	wrdreg s19  }
0x19: {  	s23 =	sadd.s32 s17, s2;
	s21 =	sadd.s32 s1, s20;
	[dreg:$0x13] =	wrdreg s3  }
0x1a: {  	s10 =	simm.s32 $0x11480;
	s0 =	sadd.s32 s2, s20;
	[dreg:$0xb] =	wrdreg s21  }
0x1b: {  	s24 =	sadd.s32 s1, s22;
	s26 =	sadd.s32 s2, s22;
	[dreg:$0xc] =	wrdreg s0  }
0x1c: {  	s11 =	sadd.s32 s1, s25;
	s18 =	sadd.s32 $0xC350, s7;
	[dreg:$0xd] =	wrdreg s24  }
0x1d: {  	s20 =	sadd.s32 $0x9C40, s7;
	s3 =	simm.s32 $0xC580;
	[dreg:$0xe] =	wrdreg s26  }
0x1e: {  	s7 =	simm.s32 $0x4F00;
	[dreg:$0xf] =	wrdreg s11;
	s0 =	sadd.s32 s2, s25  }
0x1f: {  	s24 =	sadd.s32 s17, s1;
	s19 =	sshrl.u32 s18, $0x3;
	[dreg:$0x15] =	wrdreg s20  }
.Ltmp0:
0x20: {  	s11 =	simm.s32 $0x1;
	s17 =	simm.s32 $0x6;
	(pc) =	sbr.rel .LBB2_1-.Ltmp0, $4  }
0x21: {  	s20 =	simm.s32 $0x8;
	s18 =	simm.s32 $0x4;
	[dreg:$0x10] =	wrdreg s0  }
0x22: {  	s0 =	sshrl.u32 s14, $0x3;
	s25 =	sadd.s32 s19, s2;
	s26 =	sadd.s32 s19, s1  }
0x23: {  	s14 =	simm.s32 $0x2;
	s19 =	simm.s32 $0x7;
	s21 =	sadd.s32 s0, s2  }
0x24: {  	s22 =	sadd.s32 s0, s1;
	s2 =	simm.s32 $0x1BBE0;
	s0 =	simm.s32 $0x2780  }
.LBB2_4:
0x25: {  	[bflag:$0x0] =	sbarrier.arrive $0xFFFF  }
0x26: {  	[bflag:$0x0] =	sbarrier.arrive $0xFFFF  }
0x27: {  	s2 =	simm.s32 $0x1BBE0;
	s30 =	simm.s32 $0x9;
	s29 =	rddreg [dreg:$0x12]  }
0x28: {  	[tilespmem:s2], [sflag:$0x9] =	stream.linear.gather [spmem:s29], $0x1870, $0x38;
	[tilespmem:$0x1D460] =	vst v63  }
0x29: {  	_ =	swait.ge [sflag:s30], $0x1870  }
0x2a: {  	[sflag:s30] =	ssyncset.done $0x0  }
0x2b: {  	s1 =	rddreg [dreg:$0x13];
	[sflag:s30] =	ssyncadd.s32 $0xFFFFE790  }
0x2c: {  	[hbm4b:s1+s6] =	stream.linear.scatter [tilespmem:s2], [sflag:$0x9], $0x1870, $0x38;
	[tilespmem:$0x1D460] =	vst v63  }
0x2d: {  	_ =	swait.ge [sflag:s30], $0x1870  }
0x2e: {  	s31 =	rddreg [dreg:$0x16]  }
0x2f: {  	s1 =	rddreg [dreg:$0x14];
	s31 =	sadd.s32 $0x1, s31  }
0x30: {  	p0 =	sne.s32 s31, s1  }
.Ltmp1:
0x31: {  	_ = 	snop;
	(pc) =	sbr.rel @!p0 .LBB2_5-.Ltmp1, $3  }
0x32: {  	_ =	sdelay $0x1  }
0x33: {  	[sflag:s30] =	ssyncset.done $0x0  }
0x34: {  	[sflag:s30] =	ssyncadd.s32 $0xFFFFE790  }
.LBB2_1:
0x35: {  	[dreg:$0x16] =	wrdreg s31  }
0x36: {  	s1 =	rddreg [dreg:$0x7]  }
0x37: {  	[tilespmem:s2], [sflag:$0x9] =	stream.linear.gather [hbm4b:s1+s6], $0x1870, $0x38;
	[tilespmem:$0x1D460] =	vst v63  }
0x38: {  	_ =	swait.ge [sflag:s30], $0x1870  }
0x39: {  	[sflag:s30] =	ssyncset.done $0x0  }
0x3a: {  	s31 =	rddreg [dreg:$0x8];
	[sflag:s30] =	ssyncadd.s32 $0xFFFFE790  }
0x3b: {  	[spmem:s31] =	stream.linear.scatter [tilespmem:s2], [sflag:$0x9], $0x1870, $0x38;
	[tilespmem:$0x1D460] =	vst v63  }
0x3c: {  	_ =	swait.ge [sflag:s30], $0x1870  }
0x3d: {  	[sflag:s30] =	ssyncset.done $0x0  }
0x3e: {  	s31 =	rddreg [dreg:$0x9];
	[sflag:s30] =	ssyncadd.s32 $0xFFFFE790  }
0x3f: {  	[tilespmem:s6], [sflag:$0x1] =	stream.linear.gather [hbm4b:s31+s6], $0x2710, $0x38;
	[tilespmem:$0x1D460] =	vst v63  }
0x40: {  	s1 =	rddreg [dreg:$0xa];
	s31 =	simm.s32 $0x9E00  }
0x41: {  	[tilespmem:s31], [sflag:$0x1] =	stream.linear.gather [hbm4b:s1+s6], $0x2710, $0x38;
	[tilespmem:$0x1D460] =	vst v63  }
0x42: {  	s31 =	rddreg [dreg:$0xb]  }
0x43: {  	[tilespmem:s0], [sflag:$0x2] =	stream.linear.gather [hbm4b:s31+s6], $0x2710, $0x38;
	[tilespmem:$0x1D460] =	vst v63  }
0x44: {  	s31 =	rddreg [dreg:$0xc]  }
0x45: {  	[tilespmem:s3], [sflag:$0x2] =	stream.linear.gather [hbm4b:s31+s6], $0x2710, $0x38;
	[tilespmem:$0x1D460] =	vst v63  }
0x46: {  	s31 =	rddreg [dreg:$0xd]  }
0x47: {  	[tilespmem:s7], [sflag:$0x3] =	stream.linear.gather [hbm4b:s31+s6], $0x2710, $0x38;
	[tilespmem:$0x1D460] =	vst v63  }
0x48: {  	s31 =	rddreg [dreg:$0xe]  }
0x49: {  	[tilespmem:s8], [sflag:$0x3] =	stream.linear.gather [hbm4b:s31+s6], $0x2710, $0x38;
	[tilespmem:$0x1D460] =	vst v63  }
0x4a: {  	s31 =	rddreg [dreg:$0xf]  }
0x4b: {  	[tilespmem:s9], [sflag:$0x4] =	stream.linear.gather [hbm4b:s31+s6], $0x2710, $0x38;
	[tilespmem:$0x1D460] =	vst v63  }
0x4c: {  	s31 =	rddreg [dreg:$0x10]  }
0x4d: {  	[tilespmem:s10], [sflag:$0x4] =	stream.linear.gather [hbm4b:s31+s6], $0x2710, $0x38;
	[tilespmem:$0x1D460] =	vst v63  }
0x4e: {  	s31 =	rddreg [dreg:$0x11]  }
0x4f: {  	[tilespmem:s2], [sflag:$0x9] =	stream.linear.gather [hbm4b:s31+s6], $0x1870, $0x38;
	[tilespmem:$0x1D460] =	vst v63  }
0x50: {  	_ =	swait.ge [sflag:s30], $0x1870  }
0x51: {  	[sflag:s30] =	ssyncset.done $0x0  }
0x52: {  	[sflag:s30] =	ssyncadd.s32 $0xFFFFE790  }
0x53: {  	[spmem:s29] =	stream.linear.scatter [tilespmem:s2], [sflag:$0x9], $0x1870, $0x38;
	[tilespmem:$0x1D460] =	vst v63  }
0x54: {  	_ =	swait.ge [sflag:s30], $0x1870  }
0x55: {  	[sflag:s30] =	ssyncset.done $0x0  }
0x56: {  	[sflag:s30] =	ssyncadd.s32 $0xFFFFE790  }
0x57: {  	[bflag:$0x0] =	sbarrier.arrive $0xFFFF  }
0x58: {  	s30 =	simm.s32 $0x0;
	s29 =	rddreg [dreg:$0x15]  }
.LBB2_2:
0x59: {  	_ =	swait.ge [sflag:s11], $0x2710  }
0x5a: {  	[sflag:s11] =	ssyncset.done $0x0  }
0x5b: {  	[sflag:s11] =	ssyncadd.s32 $0xFFFFD8F0  }
0x5c: {  	_ =	swait.ge [sflag:s11], $0x2710  }
0x5d: {  	[sflag:s11] =	ssyncset.done $0x0  }
0x5e: {  	[sflag:s11] =	ssyncadd.s32 $0xFFFFD8F0  }
0x5f: {  	[tilespmem:s13], [sflag:$0x5] =	stream.indirect.gather [spmem:s4], $0x1, s6, s12, $0xb8;
	[tilespmem:$0x1D460] =	vst v63  }
0x60: {  	_ =	swait.ge [sflag:s14], $0x2710  }
0x61: {  	[sflag:s14] =	ssyncset.done $0x0  }
0x62: {  	[sflag:s14] =	ssyncadd.s32 $0xFFFFD8F0  }
0x63: {  	_ =	swait.ge [sflag:s14], $0x2710  }
0x64: {  	[sflag:s14] =	ssyncset.done $0x0  }
0x65: {  	[sflag:s14] =	ssyncadd.s32 $0xFFFFD8F0  }
0x66: {  	[tilespmem:s15], [sflag:$0x6] =	stream.indirect.gather [spmem:s4], $0x1, s0, s12, $0xb8;
	[tilespmem:$0x1D460] =	vst v63  }
0x67: {  	_ =	swait.ge [sflag:s16], $0x2710  }
0x68: {  	[sflag:s16] =	ssyncset.done $0x0  }
0x69: {  	[sflag:s16] =	ssyncadd.s32 $0xFFFFD8F0  }
0x6a: {  	_ =	swait.ge [sflag:s17], $0x2710  }
0x6b: {  	[sflag:s17] =	ssyncset.done $0x0  }
0x6c: {  	[sflag:s17] =	ssyncadd.s32 $0xFFFFD8F0  }
0x6d: {  	s1 =	simm.s32 $0x9E00;
	[bflag:$0x0] =	sbarrier.arrive $0xFFFF  }
0x6e: {  	[spmem:s5] =	stream.indirect.scatter.add.f32 [tilespmem:s13], [sflag:$0x7], $0x1, s1, s12, $0xb8;
	[tilespmem:$0x1D460] =	vst v63  }
0x6f: {  	_ = 	snop  }
0x70: {  	[spmem:s5] =	stream.indirect.scatter.add.f32 [tilespmem:s15], [sflag:$0x8], $0x1, s3, s12, $0xb8;
	[tilespmem:$0x1D460] =	vst v63  }
0x71: {  	_ =	swait.ge [sflag:s19], $0x2710  }
0x72: {  	[sflag:s19] =	ssyncset.done $0x0  }
0x73: {  	[sflag:s19] =	ssyncadd.s32 $0xFFFFD8F0  }
0x74: {  	_ =	swait.ge [sflag:s20], $0x2710  }
0x75: {  	[sflag:s20] =	ssyncset.done $0x0  }
0x76: {  	p0 =	seq.s32 s30, $0x4E20;
	[sflag:s20] =	ssyncadd.s32 $0xFFFFD8F0  }
0x77: {  	s1 =	sshrl.u32 @!p0 s29, $0x3;
	s2 =	rddreg [dreg:$0x0]  }
0x78: {  	s31 =	simm.s32 @!p0 $0x0;
	s2 =	sadd.s32 @!p0 s2, s1  }
0x79: {  	[tilespmem:s31], [sflag:$0x1] =	stream.linear.gather @!p0 [hbm4b:s2+s31], $0x2710, $0x38;
	[tilespmem:$0x1D460] =	vst v63  }
0x7a: {  	s2 =	rddreg [dreg:$0x1]  }
0x7b: {  	s1 =	sadd.s32 @!p0 s2, s1;
	s2 =	simm.s32 @!p0 $0x9E00  }
0x7c: {  	[tilespmem:s2], [sflag:$0x1] =	stream.linear.gather @!p0 [hbm4b:s1+s31], $0x2710, $0x38;
	[tilespmem:$0x1D460] =	vst v63  }
0x7d: {  	s1 =	sadd.s32 @!p0 s30, s26;
	s2 =	simm.s32 @!p0 $0x2780  }
0x7e: {  	[tilespmem:s2], [sflag:$0x2] =	stream.linear.gather @!p0 [hbm4b:s1+s31], $0x2710, $0x38;
	[tilespmem:$0x1D460] =	vst v63  }
0x7f: {  	s1 =	sadd.s32 @!p0 s30, s25;
	s2 =	simm.s32 @!p0 $0xC580  }
0x80: {  	[tilespmem:s2], [sflag:$0x2] =	stream.linear.gather @!p0 [hbm4b:s1+s31], $0x2710, $0x38;
	[tilespmem:$0x1D460] =	vst v63  }
0x81: {  	[bflag:$0x0] =	sbarrier.arrive $0xFFFF  }
0x82: {  	_ =	swait.ge [sflag:s28], $0x2710  }
0x83: {  	[sflag:s28] =	ssyncset.done $0x0  }
0x84: {  	[sflag:s28] =	ssyncadd.s32 $0xFFFFD8F0  }
0x85: {  	_ =	swait.ge [sflag:s28], $0x2710  }
0x86: {  	[sflag:s28] =	ssyncset.done $0x0  }
0x87: {  	[sflag:s28] =	ssyncadd.s32 $0xFFFFD8F0  }
0x88: {  	[tilespmem:s13], [sflag:$0x5] =	stream.indirect.gather [spmem:s4], $0x1, s7, s12, $0xb8;
	[tilespmem:$0x1D460] =	vst v63  }
0x89: {  	_ =	swait.ge [sflag:s18], $0x2710  }
0x8a: {  	[sflag:s18] =	ssyncset.done $0x0  }
0x8b: {  	[sflag:s18] =	ssyncadd.s32 $0xFFFFD8F0  }
0x8c: {  	_ =	swait.ge [sflag:s18], $0x2710  }
0x8d: {  	[sflag:s18] =	ssyncset.done $0x0  }
0x8e: {  	[sflag:s18] =	ssyncadd.s32 $0xFFFFD8F0  }
0x8f: {  	[tilespmem:s15], [sflag:$0x6] =	stream.indirect.gather [spmem:s4], $0x1, s9, s12, $0xb8;
	[tilespmem:$0x1D460] =	vst v63  }
0x90: {  	_ =	swait.ge [sflag:s16], $0x2710  }
0x91: {  	[sflag:s16] =	ssyncset.done $0x0  }
0x92: {  	[sflag:s16] =	ssyncadd.s32 $0xFFFFD8F0  }
0x93: {  	_ =	swait.ge [sflag:s17], $0x2710  }
0x94: {  	[sflag:s17] =	ssyncset.done $0x0  }
0x95: {  	[sflag:s17] =	ssyncadd.s32 $0xFFFFD8F0  }
0x96: {  	[bflag:$0x0] =	sbarrier.arrive $0xFFFF  }
0x97: {  	[spmem:s5] =	stream.indirect.scatter.add.f32 [tilespmem:s13], [sflag:$0x7], $0x1, s8, s12, $0xb8;
	[tilespmem:$0x1D460] =	vst v63  }
0x98: {  	_ = 	snop  }
0x99: {  	[spmem:s5] =	stream.indirect.scatter.add.f32 [tilespmem:s15], [sflag:$0x8], $0x1, s10, s12, $0xb8;
	[tilespmem:$0x1D460] =	vst v63  }
0x9a: {  	_ =	swait.ge [sflag:s19], $0x2710  }
.Ltmp2:
0x9b: {  	[sflag:s19] =	ssyncset.done $0x0;
	(pc) =	sbr.rel @p0 .LBB2_4-.Ltmp2, $4  }
0x9c: {  	[sflag:s19] =	ssyncadd.s32 $0xFFFFD8F0  }
0x9d: {  	_ =	swait.ge [sflag:s20], $0x2710  }
0x9e: {  	[sflag:s20] =	ssyncset.done $0x0  }
0x9f: {  	[sflag:s20] =	ssyncadd.s32 $0xFFFFD8F0  }
0xa0: {  	s1 =	sadd.s32 s30, s24  }
0xa1: {  	[tilespmem:s7], [sflag:$0x3] =	stream.linear.gather [hbm4b:s1+s6], $0x2710, $0x38;
	[tilespmem:$0x1D460] =	vst v63  }
0xa2: {  	s31 =	sadd.s32 s30, s23  }
0xa3: {  	[tilespmem:s8], [sflag:$0x3] =	stream.linear.gather [hbm4b:s31+s6], $0x2710, $0x38;
	[tilespmem:$0x1D460] =	vst v63  }
0xa4: {  	s2 =	sadd.s32 s30, s22  }
0xa5: {  	[tilespmem:s9], [sflag:$0x4] =	stream.linear.gather [hbm4b:s2+s6], $0x2710, $0x38;
	[tilespmem:$0x1D460] =	vst v63  }
.Ltmp3:
0xa6: {  	_ = 	snop;
	(pc) =	sbr.rel .LBB2_2-.Ltmp3, $4  }
0xa7: {  	s31 =	sadd.s32 s30, s21  }
0xa8: {  	[tilespmem:s10], [sflag:$0x4] =	stream.linear.gather [hbm4b:s31+s6], $0x2710, $0x38;
	[tilespmem:$0x1D460] =	vst v63  }
0xa9: {  	[bflag:$0x0] =	sbarrier.arrive $0xFFFF  }
0xaa: {  	s29 =	sadd.s32 $0x9C40, s29;
	s30 =	sadd.s32 $0x1388, s30  }
.LBB2_5:
0xab: {  	_ =	sfence.sel $0x180000  }
0xac: {  	[bflag:$0x0] =	sbarrier.arrive $0xFFFF  }
0xad: {  	_ =	strace $0x9000004A  }
0xae: {  	s0 =	stileid.u32;
	[bflag:$0x2] =	sbarrier.arrive $0xFFFF  }
0xaf: {  	p0 =	sne.s32 s0, $0x0;
	s0 =	rddreg [dreg:$0x6]  }
0xb0: {  	s0 =	sadd.s32 @!p0 $0x100000, s0  }
0xb1: {  	[sflag:s0] =	ssyncadd.tile.s32 @!p0 $0x1;
	_ =	shalt  }
.Lfunc_end2:
_tile_overlayer_lowered:
.L_overlay_start_2:
0xb2: {  	(tag) =	ssettag $0x2  }
0xb3: {  	s0 =	rddreg [dreg:$0x0];
	s2 =	stileid.u32  }
0xb4: {  	s1 =	rddreg [dreg:$0x1];
	p0 =	sne.s32 s2, $0x0  }
0xb5: {  	s3 =	rddreg [dreg:$0x2];
	[bflag:$0x3] =	sbarrier.arrive $0xFFFF;
	s2 =	simm.s32 @!p0 $0x1C09  }
0xb6: {  	[timem:s3], [sflag:s2] =	dma.local @!p0 [hbm:s0], s1  }
0xb7: {  	s0 =	simm.s32 @!p0 $0x9  }
0xb8: {  	_ =	swait.ge @!p0 [sflag:s0], s1  }
0xb9: {  	s1 =	ssub.s32 @!p0 $0x0, s1;
	[sflag:s0] =	ssyncset.done @!p0 $0x0  }
0xba: {  	[sflag:s0] =	ssyncadd.s32 @!p0 s1  }
0xbb: {  	[bflag:$0x3] =	sbarrier.arrive $0xFFFF  }
0xbc: {  	_ =	shalt  }

// kernel: kernel.3.cloned.1.call-start
scs
__scs_entry_jumppad:
0x0: {  	(pc) =	sbr.rel $0x88, $3  }
0x1: {  	(tag) =	ssettag $0x0;
	lr =	simm.s32 $0x1  }
0x2: {  	[smem:$0x3F9C] =	sst lr;
	_ =	strace $0xD0000000  }
0x3: {  	_ = 	snop  }
0x4: {  	_ = 	snop  }
0x5: {  	_ = 	snop  }
0x6: {  	_ = 	snop  }
0x7: {  	_ = 	snop  }
__scs_overlays_trampoline_lowered:
0x8: {  	[smem:$0x3FAB] =	sst s0  }
0x9: {  	[smem:$0x3FAC] =	sst s1  }
0xa: {  	[smem:$0x3FAD] =	sst s2  }
0xb: {  	[smem:$0x3FAE] =	sst s3  }
0xc: {  	[smem:$0x3FAF] =	sst s4  }
0xd: {  	[smem:$0x3FB0] =	sst s5  }
0xe: {  	[smem:$0x3FB1] =	sst s6  }
0xf: {  	[smem:$0x3FB2] =	sst s7  }
0x10: {  	[smem:$0x3FB3] =	sst s8  }
0x11: {  	[smem:$0x3FB4] =	sst s9;
	s0 =	simm.s32 @!p0 $0x0  }
0x12: {  	s1 =	sld [smem:$0x3F9A];
	s0 =	simm.s32 @p0 $0x1  }
0x13: {  	[smem:$0x3FB5] =	sst s0;
	s0 =	simm.s32 @!p1 $0x0  }
0x14: {  	s2 =	sld [smem:$0x3F99];
	s0 =	simm.s32 @p1 $0x1  }
0x15: {  	[smem:$0x3FB6] =	sst s0;
	s0 =	simm.s32 @!p2 $0x0  }
0x16: {  	s3 =	sld [smem:$0x3FDB];
	s0 =	simm.s32 @p2 $0x1  }
0x17: {  	s4 =	simm.s32 $0x1BF5;
	[smem:$0x3FB8] =	sst s0  }
0x18: {  	s0 =	sld [smem:$0x3F9B];
	_ =	swait.ge [sflag:s4], $0x0  }
0x19: {  	s7 =	sld [smem:$0x3F9C]  }
0x1a: {  	s8 =	sadd.s32 $0xFFFFE003, lr  }
0x1b: {  	s9 =	sadd.s32 $0xFFFFFEF7, lr;
	s5 =	simm.s32 $0xFFFFFFFF;
	p2 =	slt.u32 s8, $0xFFFFF086  }
0x1c: {  	p1 =	slt.u32 s9, $0xF7A;
	s5 =	simm.s32 @!p2 $0x0  }
0x1d: {  	s5 =	simm.s32 @p1 $0x1;
	p0 =	seq.s32 s7, s2  }
0x1e: {  	s7 =	smul.u32 @!p0 $0xF7A, s2;
	p2 =	seq.s32 @!p0 s5, $0x0  }
0x1f: {  	s9 =	smul.u32 $0xF7A, s1;
	s8 =	simm.s32 @!p0 $0x1BF5;
	p2 =	por !p2, p0  }
0x20: {  	[sflag:s8] =	ssyncset.s32 @!p0 $0xFFFFF086;
	s6 =	sadd.s32 @!p0 s3, s7;
	s7 =	simm.s32 @!p0 $0x108  }
0x21: {  	s3 =	sadd.s32 s3, s9;
	s6 =	sadd.s32 @!p0 $0x88, s6;
	s7 =	simm.s32 @p2 $0x1082  }
0x22: {  	[simem:s7], [sflag:s8] =	dma.local @!p0 [hbm:s6], $0xF7A  }
0x23: {  	s9 =	sor.u32 $0xD0000000, s2;
	s6 =	simm.s32 $0x108;
	_ =	swait.ge @!p0 [sflag:s8], $0x0  }
0x24: {  	s3 =	sadd.s32 $0x88, s3;
	s6 =	simm.s32 @!p1 $0x1082;
	[sflag:s4] =	ssyncset.s32 $0xFFFFF086  }
0x25: {  	[simem:s6], [sflag:s4] =	dma.local [hbm:s3], $0xF7A  }
0x26: {  	[smem:$0x3F9C] =	sst s1;
	(tag) =	ssettag s2;
	_ =	strace s9  }
0x27: {  	s1 =	sld [smem:$0x3FAC]  }
0x28: {  	s2 =	sld [smem:$0x3FAD]  }
0x29: {  	s4 =	sld [smem:$0x3FAF]  }
0x2a: {  	p0 =	seq.s32 s5, $0x0;
	s5 =	sld [smem:$0x3FB0]  }
0x2b: {  	s6 =	sld [smem:$0x3FB1]  }
0x2c: {  	s7 =	sld [smem:$0x3FB2]  }
0x2d: {  	s3 =	simm.s32 $0x108;
	s8 =	sld [smem:$0x3FB3]  }
0x2e: {  	s3 =	simm.s32 @!p0 $0x1082;
	s9 =	sld [smem:$0x3FB4]  }
0x2f: {  	lr =	sadd.s32 s0, s3;
	s0 =	sld [smem:$0x3FAB]  }
0x30: {  	s3 =	sld [smem:$0x3FAE]  }
0x31: {  	[smem:$0x3FB7] =	sst s10  }
0x32: {  	s10 =	sld [smem:$0x3FB5];
	_ =	sdelay $0x3  }
0x33: {  	p0 =	seq.s32 s10, $0x1;
	s10 =	sld [smem:$0x3FB7];
	_ =	sdelay $0x3  }
0x34: {  	[smem:$0x3FB7] =	sst s10  }
0x35: {  	s10 =	sld [smem:$0x3FB6];
	_ =	sdelay $0x3  }
0x36: {  	p1 =	seq.s32 s10, $0x1;
	s10 =	sld [smem:$0x3FB7];
	_ =	sdelay $0x3  }
0x37: {  	[smem:$0x3FB7] =	sst s10  }
0x38: {  	s10 =	sld [smem:$0x3FB8]  }
0x39: {  	_ = 	snop;
	(pc) =	sbr.ind lr, $3  }
0x3a: {  	_ = 	snop  }
0x3b: {  	_ = 	snop  }
0x3c: {  	p2 =	seq.s32 s10, $0x1;
	s10 =	sld [smem:$0x3FB7]  }
0x3d: {  	_ =	shalt  }
0x3e: {  	_ =	shalt  }
0x3f: {  	_ =	shalt  }
0x40: {  	_ =	shalt  }
0x41: {  	_ =	shalt  }
0x42: {  	_ =	shalt  }
0x43: {  	_ =	shalt  }
0x44: {  	_ =	shalt  }
0x45: {  	_ =	shalt  }
0x46: {  	_ =	shalt  }
0x47: {  	_ =	shalt  }
0x48: {  	_ =	shalt  }
0x49: {  	_ =	shalt  }
0x4a: {  	_ =	shalt  }
0x4b: {  	_ =	shalt  }
0x4c: {  	_ =	shalt  }
0x4d: {  	_ =	shalt  }
0x4e: {  	_ =	shalt  }
0x4f: {  	_ =	shalt  }
0x50: {  	_ =	shalt  }
0x51: {  	_ =	shalt  }
0x52: {  	_ =	shalt  }
0x53: {  	_ =	shalt  }
0x54: {  	_ =	shalt  }
0x55: {  	_ =	shalt  }
0x56: {  	_ =	shalt  }
0x57: {  	_ =	shalt  }
0x58: {  	_ =	shalt  }
0x59: {  	_ =	shalt  }
0x5a: {  	_ =	shalt  }
0x5b: {  	_ =	shalt  }
0x5c: {  	_ =	shalt  }
0x5d: {  	_ =	shalt  }
0x5e: {  	_ =	shalt  }
0x5f: {  	_ =	shalt  }
0x60: {  	_ =	shalt  }
0x61: {  	_ =	shalt  }
0x62: {  	_ =	shalt  }
0x63: {  	_ =	shalt  }
0x64: {  	_ =	shalt  }
0x65: {  	_ =	shalt  }
0x66: {  	_ =	shalt  }
0x67: {  	_ =	shalt  }
0x68: {  	_ =	shalt  }
0x69: {  	_ =	shalt  }
0x6a: {  	_ =	shalt  }
0x6b: {  	_ =	shalt  }
0x6c: {  	_ =	shalt  }
0x6d: {  	_ =	shalt  }
0x6e: {  	_ =	shalt  }
0x6f: {  	_ =	shalt  }
0x70: {  	_ =	shalt  }
0x71: {  	_ =	shalt  }
0x72: {  	_ =	shalt  }
0x73: {  	_ =	shalt  }
0x74: {  	_ =	shalt  }
0x75: {  	_ =	shalt  }
0x76: {  	_ =	shalt  }
0x77: {  	_ =	shalt  }
0x78: {  	_ =	shalt  }
0x79: {  	_ =	shalt  }
0x7a: {  	_ =	shalt  }
0x7b: {  	_ =	shalt  }
0x7c: {  	_ =	shalt  }
0x7d: {  	_ =	shalt  }
0x7e: {  	_ =	shalt  }
0x7f: {  	_ =	shalt  }
0x80: {  	_ =	shalt  }
0x81: {  	_ =	shalt  }
0x82: {  	_ =	shalt  }
0x83: {  	_ =	shalt  }
0x84: {  	_ =	shalt  }
0x85: {  	_ =	shalt  }
0x86: {  	_ =	shalt  }
0x87: {  	_ =	shalt  }
.Lfunc_end0:
.L_simem_size_0:
called_computation.1_lowered:
.L_overlay_start_0:
0x88: {  	s2 =	sld [smem:$0x3FD9]  }
0x89: {  	s3 =	sld [smem:$0x3FFE];
	_ =	sdelay $0x1  }
0x8a: {  	s1 =	srdreg.scid  }
0x8b: {  	s0 =	sand.u32 $0x1, s1  }
0x8c: {  	s17 =	sshll.u32 s0, $0xA;
	s2 =	sadd.s32 s3, s2  }
0x8d: {  	s2 =	sadd.s32 s2, s17  }
0x8e: {  	[smem:$0x3FC3] =	sst s2  }
0x8f: {  	_ = 	snop  }
0x90: {  	s2 =	sld [smem:$0x3FC9]  }
0x91: {  	s18 =	sld [smem:$0x3FD0];
	(tm) =	ssettm $0x1  }
0x92: {  	s4 =	sld [smem:$0x3FFB];
	_ =	sdelay $0x3  }
0x93: {  	_ =	strace s4  }
0x94: {  	s4 =	sld [smem:$0x3FFC];
	_ =	sdelay $0x3  }
0x95: {  	_ =	strace s4  }
0x96: {  	s4 =	sld [smem:$0x3FFD];
	_ =	sdelay $0x3  }
0x97: {  	_ =	strace s4  }
0x98: {  	_ =	strace $0x8FFFFFFF  }
0x99: {  	s19 =	sld [smem:$0x3FDB];
	_ =	sdelay $0x1  }
0x9a: {  	s5 =	simm.s32 $_scs_section_size  }
0x9b: {  	s6 =	simm.s32 $_size__tile_overlayer_lowered;
	s7 =	simm.s32 $_tile_overlayer_lowered  }
0x9c: {  	s22 =	simm.s32 $0x1BFF;
	s21 =	sshll.u32 s7, $0x1;
	s4 =	sadd.s32 s5, s19  }
0x9d: {  	s8 =	simm.s32 $0x0;
	s20 =	sshll.u32 s6, $0x1;
	s6 =	sadd.s32 s21, s4  }
0x9e: {  	[timem:s8], [sflag:s22] =	dma.local [hbm:s6], s20  }
0x9f: {  	_ =	swait.ge [sflag:s22], s20  }
0xa0: {  	s5 =	ssub.s32 $0x0, s20;
	[sflag:s22] =	ssyncset.done $0x0  }
0xa1: {  	[sflag:s22] =	ssyncadd.s32 s5;
	_ =	sdelay $0x1  }
0xa2: {  	s23 =	simm.s32 $0x1B8B  }
0xa3: {  	_ =	swait.ge [sflag:s23], $0x1  }
0xa4: {  	[sflag:s23] =	ssyncset.done $0x0  }
0xa5: {  	s25 =	simm.s32 $0x1B8E;
	s24 =	sld [smem:$0x3FFE];
	[sflag:s23] =	ssyncadd.s32 $0xFFFFFFFF  }
0xa6: {  	s26 =	simm.s32 $execute0_lowered;
	[smem:$0x3FD2] =	sst s25  }
0xa7: {  	s6 =	sshll.u32 s26, $0x1;
	_ =	strace $0x80000046;
	[dreg:$0x1] =	wrdreg $0xFFFFFFFF  }
0xa8: {  	s28 =	simm.s32 $_size_execute0_lowered;
	s4 =	sadd.s32 s4, s6;
	[dreg:$0x0] =	wrdreg $0x0  }
0xa9: {  	s6 =	sshll.u32 s28, $0x1;
	[dreg:$0x2] =	wrdreg s4  }
0xaa: {  	[dreg:$0x3] =	wrdreg s6  }
0xab: {  	[dreg:$0x4] =	wrdreg $0xC0  }
0xac: {  	_ =	task [dreg:s8], $0x5FFFF  }
0xad: {  	[dreg:$0x1] =	wrdreg $0xFFFFFFFF  }
0xae: {  	[dreg:$0x0] =	wrdreg $0x60  }
0xaf: {  	[dreg:$0x2] =	wrdreg s2  }
0xb0: {  	[dreg:$0x3] =	wrdreg s18  }
0xb1: {  	[dreg:$0x4] =	wrdreg s24  }
0xb2: {  	[dreg:$0x5] =	wrdreg $0x1A3700  }
0xb3: {  	[dreg:$0x6] =	wrdreg $0x18B000  }
0xb4: {  	[dreg:$0x7] =	wrdreg $0x9  }
0xb5: {  	_ =	task.clear_ibuf [dreg:s8], $0x8FFFF;
	_ =	strace $0x90000046  }
0xb6: {  	s29 =	simm.s32 $0x9;
	_ =	strace $0x80000048  }
0xb7: {  	_ =	swait.ge [sflag:s29], $0x1  }
0xb8: {  	[sflag:s29] =	ssyncadd.s32 $0xFFFFFFFF  }
0xb9: {  	_ =	strace $0x90000048  }
0xba: {  	_ =	sfence  }
0xbb: {  	s30 =	sld [smem:$0x0];
	_ =	sdelay $0x2  }
0xbc: {  	s31 =	sshll.u32 s1, $0xD;
	s1 =	sshrl.u32 s1, $0x2  }
0xbd: {  	s3 =	sand.u32 $0x4000, s31;
	s1 =	sadd.s32 s1, s30  }
0xbe: {  	s0 =	sor.u32 s3, s0;
	s1 =	sshll.u32 s1, $0x11  }
0xbf: {  	s0 =	sor.u32 s1, s0  }
0xc0: {  	s0 =	sadd.s32 $0x8F2B, s0  }
0xc1: {  	[sflag:s0] =	ssyncadd.remote.s32 $0x1  }
0xc2: {  	_ =	sfence.sel $0xFFFF  }
0xc3: {  	[dreg:$0x0] =	wrdreg $0xFFFFFFFF;
	(pc) =	sbr.abs _section_cstart, $3  }
0xc4: {  	[dreg:$0x1] =	wrdreg $0xFFFFFFFF  }
0xc5: {  	_ =	task.clear_ibuf [dreg:s8], $0x2FFFF;
	_ =	strace $0x9FFFFFFF  }
0xc6: {  	(tm) =	ssettm $0x7FFFFFFF  }
0xc7: {  	_ =	shalt  }
tec
execute0_lowered:
.L_overlay_start_1:
0x0: {  	(tag) =	ssettag $0x1  }
0x1: {  	s1 =	rddreg [dreg:$0x0]  }
0x2: {  	s0 =	rddreg [dreg:$0x1]  }
0x3: {  	s2 =	rddreg [dreg:$0x2]  }
0x4: {  	s3 =	rddreg [dreg:$0x3]  }
0x5: {  	s4 =	rddreg [dreg:$0x4];
	s14 =	stileid.u32  }
0x6: {  	s6 =	srdreg.scid;
	s5 =	simm.s32 $0x0;
	s28 =	simm.s32 $0x7680  }
0x7: {  	s29 =	simm.s32 $0x11480;
	s30 =	simm.s32 $0x1;
	s7 =	smul.u32 $0x1870, s14  }
0x8: {  	s6 =	sand.u32 $0x1, s6;
	[smem:$0x7FF] =	sst s5;
	s18 =	smul.u32 $0x30D40, s14  }
0x9: {  	s31 =	simm.s32 $0x2710;
	s8 =	smul.u32 $0x18700, s6;
	_ =	strace $0x80000047  }
0xa: {  	s10 =	sshll.u32 s6, $0x4;
	s11 =	ssub.s32 $0x2, s6;
	s6 =	smul.u32 $0x30D400, s6  }
0xb: {  	s9 =	sshrl.u32 s7, $0x3;
	s10 =	sor.u32 s14, s10;
	s12 =	sshrl.u32 s11, $0x1  }
0xc: {  	s16 =	sadd.s32 s7, s3;
	s14 =	simm.s32 $0x7;
	s8 =	sadd.s32 s7, s8  }
0xd: {  	s10 =	smul.u32 $0x30D40, s10;
	s13 =	sadd.s32 s9, s2;
	s11 =	ssub.s32 s11, s12  }
0xe: {  	s0 =	sadd.s32 s0, s9;
	[dreg:$0x7] =	wrdreg s16;
	s12 =	simm.s32 $0x6  }
0xf: {  	s9 =	simm.s32 $0x4;
	s8 =	sshrl.u32 s8, $0x3;
	[dreg:$0x6] =	wrdreg s0  }
0x10: {  	s21 =	sadd.s32 $0x400, s13;
	s0 =	sadd.s32 s18, s6;
	s22 =	smax.u32 s11, $0x1  }
0x11: {  	s11 =	simm.s32 $0x1BBE0;
	s13 =	simm.s32 $0x0;
	s2 =	sadd.s32 s8, s2  }
0x12: {  	s15 =	sshrl.u32 s10, $0x3;
	[dreg:$0xc] =	wrdreg s21;
	s10 =	sadd.s32 s7, s4  }
0x13: {  	[dreg:$0xf] =	wrdreg s22;
	s23 =	sadd.s32 $0x11170, s0;
	s6 =	sadd.s32 $0xEA60, s0  }
0x14: {  	s24 =	sadd.s32 $0xC350, s0;
	s0 =	sadd.s32 $0x9C40, s0;
	s21 =	simm.s32 $0x9  }
0x15: {  	s22 =	simm.s32 $0x9E00;
	s7 =	simm.s32 $0x5;
	s17 =	sadd.s32 s1, s15  }
0x16: {  	s2 =	sadd.s32 $0x3600, s2;
	s25 =	sshrl.u32 s6, $0x3;
	s26 =	sshrl.u32 s24, $0x3  }
0x17: {  	[dreg:$0x10] =	wrdreg s0;
	s24 =	simm.s32 $0xC580;
	s0 =	simm.s32 $0x13C00  }
0x18: {  	s6 =	simm.s32 $0x16380;
	s15 =	simm.s32 $0x8;
	[dreg:$0xd] =	wrdreg s10  }
0x19: {  	s19 =	sadd.s32 $0x4E2, s17;
	s20 =	sadd.s32 $0x9C4, s17;
	[dreg:$0x8] =	wrdreg s17  }
.Ltmp0:
0x1a: {  	s8 =	sadd.s32 $0xEA6, s17;
	[dreg:$0xe] =	wrdreg s2;
	(pc) =	sbr.rel .LBB2_1-.Ltmp0, $4  }
0x1b: {  	s2 =	sshrl.u32 s23, $0x3;
	s17 =	sadd.s32 s25, s1;
	[dreg:$0x9] =	wrdreg s19  }
0x1c: {  	s18 =	sadd.s32 s26, s1;
	s23 =	simm.s32 $0x2780;
	[dreg:$0xa] =	wrdreg s20  }
0x1d: {  	s25 =	simm.s32 $0x4F00;
	s26 =	simm.s32 $0xED00;
	[dreg:$0xb] =	wrdreg s8  }
0x1e: {  	s16 =	sadd.s32 s2, s1;
	s2 =	simm.s32 $0x2;
	s19 =	simm.s32 $0x3  }
.LBB2_4:
0x1f: {  	[bflag:$0x0] =	sbarrier.arrive $0xFFFF  }
0x20: {  	[bflag:$0x0] =	sbarrier.arrive $0xFFFF  }
0x21: {  	s11 =	simm.s32 $0x1BBE0;
	s10 =	rddreg [dreg:$0xd]  }
0x22: {  	[tilespmem:s11], [sflag:$0x9] =	stream.linear.gather [spmem:s10], $0x1870, $0x38;
	[tilespmem:$0x1D460] =	vst v63  }
0x23: {  	_ =	swait.ge [sflag:s21], $0x1870  }
0x24: {  	[sflag:s21] =	ssyncset.done $0x0  }
0x25: {  	s8 =	rddreg [dreg:$0xe];
	[sflag:s21] =	ssyncadd.s32 $0xFFFFE790  }
0x26: {  	[hbm4b:s8+s5] =	stream.linear.scatter [tilespmem:s11], [sflag:$0x9], $0x1870, $0x38;
	[tilespmem:$0x1D460] =	vst v63  }
0x27: {  	_ =	swait.ge [sflag:s21], $0x1870  }
0x28: {  	s13 =	rddreg [dreg:$0x11]  }
0x29: {  	s20 =	rddreg [dreg:$0xf];
	s13 =	sadd.s32 $0x1, s13  }
0x2a: {  	p0 =	sne.s32 s13, s20  }
.Ltmp1:
0x2b: {  	_ = 	snop;
	(pc) =	sbr.rel @!p0 .LBB2_5-.Ltmp1, $3  }
0x2c: {  	_ =	sdelay $0x1  }
0x2d: {  	[sflag:s21] =	ssyncset.done $0x0  }
0x2e: {  	[sflag:s21] =	ssyncadd.s32 $0xFFFFE790  }
.LBB2_1:
0x2f: {  	[dreg:$0x11] =	wrdreg s13  }
0x30: {  	s8 =	rddreg [dreg:$0x6]  }
0x31: {  	[tilespmem:s11], [sflag:$0x9] =	stream.linear.gather [hbm4b:s8+s5], $0x1870, $0x38;
	[tilespmem:$0x1D460] =	vst v63  }
0x32: {  	_ =	swait.ge [sflag:s21], $0x1870  }
0x33: {  	[sflag:s21] =	ssyncset.done $0x0  }
0x34: {  	s13 =	rddreg [dreg:$0x7];
	[sflag:s21] =	ssyncadd.s32 $0xFFFFE790  }
0x35: {  	[spmem:s13] =	stream.linear.scatter [tilespmem:s11], [sflag:$0x9], $0x1870, $0x38;
	[tilespmem:$0x1D460] =	vst v63  }
0x36: {  	_ =	swait.ge [sflag:s21], $0x1870  }
0x37: {  	[sflag:s21] =	ssyncset.done $0x0  }
0x38: {  	s20 =	rddreg [dreg:$0x8];
	[sflag:s21] =	ssyncadd.s32 $0xFFFFE790  }
0x39: {  	[tilespmem:s5], [sflag:$0x1] =	stream.linear.gather [hbm4b:s20+s5], $0x2710, $0x38;
	[tilespmem:$0x1D460] =	vst v63  }
0x3a: {  	_ = 	snop  }
0x3b: {  	[tilespmem:s22], [sflag:$0x1] =	stream.linear.gather [hbm4b:s20+s5], $0x2710, $0x38;
	[tilespmem:$0x1D460] =	vst v63  }
0x3c: {  	s13 =	rddreg [dreg:$0x9]  }
0x3d: {  	[tilespmem:s23], [sflag:$0x2] =	stream.linear.gather [hbm4b:s13+s5], $0x2710, $0x38;
	[tilespmem:$0x1D460] =	vst v63  }
0x3e: {  	_ = 	snop  }
0x3f: {  	[tilespmem:s24], [sflag:$0x2] =	stream.linear.gather [hbm4b:s13+s5], $0x2710, $0x38;
	[tilespmem:$0x1D460] =	vst v63  }
0x40: {  	s20 =	rddreg [dreg:$0xa]  }
0x41: {  	[tilespmem:s25], [sflag:$0x3] =	stream.linear.gather [hbm4b:s20+s5], $0x2710, $0x38;
	[tilespmem:$0x1D460] =	vst v63  }
0x42: {  	_ = 	snop  }
0x43: {  	[tilespmem:s26], [sflag:$0x3] =	stream.linear.gather [hbm4b:s20+s5], $0x2710, $0x38;
	[tilespmem:$0x1D460] =	vst v63  }
0x44: {  	s13 =	rddreg [dreg:$0xb]  }
0x45: {  	[tilespmem:s28], [sflag:$0x4] =	stream.linear.gather [hbm4b:s13+s5], $0x2710, $0x38;
	[tilespmem:$0x1D460] =	vst v63  }
0x46: {  	_ = 	snop  }
0x47: {  	[tilespmem:s29], [sflag:$0x4] =	stream.linear.gather [hbm4b:s13+s5], $0x2710, $0x38;
	[tilespmem:$0x1D460] =	vst v63  }
0x48: {  	s20 =	rddreg [dreg:$0xc]  }
0x49: {  	[tilespmem:s11], [sflag:$0x9] =	stream.linear.gather [hbm4b:s20+s5], $0x1870, $0x38;
	[tilespmem:$0x1D460] =	vst v63  }
0x4a: {  	_ =	swait.ge [sflag:s21], $0x1870  }
0x4b: {  	[sflag:s21] =	ssyncset.done $0x0  }
0x4c: {  	[sflag:s21] =	ssyncadd.s32 $0xFFFFE790  }
0x4d: {  	[spmem:s10] =	stream.linear.scatter [tilespmem:s11], [sflag:$0x9], $0x1870, $0x38;
	[tilespmem:$0x1D460] =	vst v63  }
0x4e: {  	_ =	swait.ge [sflag:s21], $0x1870  }
0x4f: {  	[sflag:s21] =	ssyncset.done $0x0  }
0x50: {  	[sflag:s21] =	ssyncadd.s32 $0xFFFFE790  }
0x51: {  	[bflag:$0x0] =	sbarrier.arrive $0xFFFF  }
0x52: {  	s13 =	simm.s32 $0x0;
	s11 =	rddreg [dreg:$0x10]  }
.LBB2_2:
0x53: {  	_ =	swait.ge [sflag:s30], $0x2710  }
0x54: {  	[sflag:s30] =	ssyncset.done $0x0  }
0x55: {  	[sflag:s30] =	ssyncadd.s32 $0xFFFFD8F0  }
0x56: {  	_ =	swait.ge [sflag:s30], $0x2710  }
0x57: {  	[sflag:s30] =	ssyncset.done $0x0  }
0x58: {  	[sflag:s30] =	ssyncadd.s32 $0xFFFFD8F0  }
0x59: {  	[tilespmem:s0], [sflag:$0x5] =	stream.indirect.gather [spmem:s3], $0x1, s5, s31, $0xb8;
	[tilespmem:$0x1D460] =	vst v63  }
0x5a: {  	_ =	swait.ge [sflag:s2], $0x2710  }
0x5b: {  	[sflag:s2] =	ssyncset.done $0x0  }
0x5c: {  	[sflag:s2] =	ssyncadd.s32 $0xFFFFD8F0  }
0x5d: {  	_ =	swait.ge [sflag:s2], $0x2710  }
0x5e: {  	[sflag:s2] =	ssyncset.done $0x0  }
0x5f: {  	[sflag:s2] =	ssyncadd.s32 $0xFFFFD8F0  }
0x60: {  	[tilespmem:s6], [sflag:$0x6] =	stream.indirect.gather [spmem:s3], $0x1, s23, s31, $0xb8;
	[tilespmem:$0x1D460] =	vst v63  }
0x61: {  	_ =	swait.ge [sflag:s7], $0x2710  }
0x62: {  	[sflag:s7] =	ssyncset.done $0x0  }
0x63: {  	[sflag:s7] =	ssyncadd.s32 $0xFFFFD8F0  }
0x64: {  	_ =	swait.ge [sflag:s12], $0x2710  }
0x65: {  	[sflag:s12] =	ssyncset.done $0x0  }
0x66: {  	[sflag:s12] =	ssyncadd.s32 $0xFFFFD8F0  }
0x67: {  	[bflag:$0x0] =	sbarrier.arrive $0xFFFF  }
0x68: {  	[spmem:s4] =	stream.indirect.scatter.add.f32 [tilespmem:s0], [sflag:$0x7], $0x1, s22, s31, $0xb8;
	[tilespmem:$0x1D460] =	vst v63  }
0x69: {  	_ = 	snop  }
0x6a: {  	[spmem:s4] =	stream.indirect.scatter.add.f32 [tilespmem:s6], [sflag:$0x8], $0x1, s24, s31, $0xb8;
	[tilespmem:$0x1D460] =	vst v63  }
0x6b: {  	_ =	swait.ge [sflag:s14], $0x2710  }
0x6c: {  	[sflag:s14] =	ssyncset.done $0x0  }
0x6d: {  	[sflag:s14] =	ssyncadd.s32 $0xFFFFD8F0  }
0x6e: {  	p0 =	seq.s32 s13, $0x4E20;
	_ =	swait.ge [sflag:s15], $0x2710  }
0x6f: {  	s8 =	sshrl.u32 @!p0 s11, $0x3;
	[sflag:s15] =	ssyncset.done $0x0  }
0x70: {  	s20 =	simm.s32 @!p0 $0x0;
	s8 =	sadd.s32 @!p0 s1, s8;
	[sflag:s15] =	ssyncadd.s32 $0xFFFFD8F0  }
0x71: {  	[tilespmem:s20], [sflag:$0x1] =	stream.linear.gather @!p0 [hbm4b:s8+s20], $0x2710, $0x38;
	[tilespmem:$0x1D460] =	vst v63  }
0x72: {  	s10 =	simm.s32 @!p0 $0x9E00  }
0x73: {  	[tilespmem:s10], [sflag:$0x1] =	stream.linear.gather @!p0 [hbm4b:s8+s20], $0x2710, $0x38;
	[tilespmem:$0x1D460] =	vst v63  }
0x74: {  	s8 =	sadd.s32 @!p0 s13, s18;
	s10 =	simm.s32 @!p0 $0x2780  }
0x75: {  	[tilespmem:s10], [sflag:$0x2] =	stream.linear.gather @!p0 [hbm4b:s8+s20], $0x2710, $0x38;
	[tilespmem:$0x1D460] =	vst v63  }
0x76: {  	s10 =	simm.s32 @!p0 $0xC580  }
0x77: {  	[tilespmem:s10], [sflag:$0x2] =	stream.linear.gather @!p0 [hbm4b:s8+s20], $0x2710, $0x38;
	[tilespmem:$0x1D460] =	vst v63  }
0x78: {  	[bflag:$0x0] =	sbarrier.arrive $0xFFFF  }
0x79: {  	_ =	swait.ge [sflag:s19], $0x2710  }
0x7a: {  	[sflag:s19] =	ssyncset.done $0x0  }
0x7b: {  	[sflag:s19] =	ssyncadd.s32 $0xFFFFD8F0  }
0x7c: {  	_ =	swait.ge [sflag:s19], $0x2710  }
0x7d: {  	[sflag:s19] =	ssyncset.done $0x0  }
0x7e: {  	[sflag:s19] =	ssyncadd.s32 $0xFFFFD8F0  }
0x7f: {  	[tilespmem:s0], [sflag:$0x5] =	stream.indirect.gather [spmem:s3], $0x1, s25, s31, $0xb8;
	[tilespmem:$0x1D460] =	vst v63  }
0x80: {  	_ =	swait.ge [sflag:s9], $0x2710  }
0x81: {  	[sflag:s9] =	ssyncset.done $0x0  }
0x82: {  	[sflag:s9] =	ssyncadd.s32 $0xFFFFD8F0  }
0x83: {  	_ =	swait.ge [sflag:s9], $0x2710  }
0x84: {  	[sflag:s9] =	ssyncset.done $0x0  }
0x85: {  	[sflag:s9] =	ssyncadd.s32 $0xFFFFD8F0  }
0x86: {  	[tilespmem:s6], [sflag:$0x6] =	stream.indirect.gather [spmem:s3], $0x1, s28, s31, $0xb8;
	[tilespmem:$0x1D460] =	vst v63  }
0x87: {  	_ =	swait.ge [sflag:s7], $0x2710  }
0x88: {  	[sflag:s7] =	ssyncset.done $0x0  }
0x89: {  	[sflag:s7] =	ssyncadd.s32 $0xFFFFD8F0  }
0x8a: {  	_ =	swait.ge [sflag:s12], $0x2710  }
0x8b: {  	[sflag:s12] =	ssyncset.done $0x0  }
0x8c: {  	[sflag:s12] =	ssyncadd.s32 $0xFFFFD8F0  }
0x8d: {  	[bflag:$0x0] =	sbarrier.arrive $0xFFFF  }
0x8e: {  	[spmem:s4] =	stream.indirect.scatter.add.f32 [tilespmem:s0], [sflag:$0x7], $0x1, s26, s31, $0xb8;
	[tilespmem:$0x1D460] =	vst v63  }
0x8f: {  	_ = 	snop  }
0x90: {  	[spmem:s4] =	stream.indirect.scatter.add.f32 [tilespmem:s6], [sflag:$0x8], $0x1, s29, s31, $0xb8;
	[tilespmem:$0x1D460] =	vst v63  }
0x91: {  	_ =	swait.ge [sflag:s14], $0x2710  }
.Ltmp2:
0x92: {  	[sflag:s14] =	ssyncset.done $0x0;
	(pc) =	sbr.rel @p0 .LBB2_4-.Ltmp2, $4  }
0x93: {  	[sflag:s14] =	ssyncadd.s32 $0xFFFFD8F0  }
0x94: {  	_ =	swait.ge [sflag:s15], $0x2710  }
0x95: {  	[sflag:s15] =	ssyncset.done $0x0  }
0x96: {  	[sflag:s15] =	ssyncadd.s32 $0xFFFFD8F0  }
0x97: {  	s8 =	sadd.s32 s13, s17  }
0x98: {  	[tilespmem:s25], [sflag:$0x3] =	stream.linear.gather [hbm4b:s8+s5], $0x2710, $0x38;
	[tilespmem:$0x1D460] =	vst v63  }
0x99: {  	_ = 	snop  }
0x9a: {  	[tilespmem:s26], [sflag:$0x3] =	stream.linear.gather [hbm4b:s8+s5], $0x2710, $0x38;
	[tilespmem:$0x1D460] =	vst v63  }
0x9b: {  	s20 =	sadd.s32 s13, s16  }
0x9c: {  	[tilespmem:s28], [sflag:$0x4] =	stream.linear.gather [hbm4b:s20+s5], $0x2710, $0x38;
	[tilespmem:$0x1D460] =	vst v63  }
.Ltmp3:
0x9d: {  	_ = 	snop;
	(pc) =	sbr.rel .LBB2_2-.Ltmp3, $4  }
0x9e: {  	_ = 	snop  }
0x9f: {  	[tilespmem:s29], [sflag:$0x4] =	stream.linear.gather [hbm4b:s20+s5], $0x2710, $0x38;
	[tilespmem:$0x1D460] =	vst v63  }
0xa0: {  	[bflag:$0x0] =	sbarrier.arrive $0xFFFF  }
0xa1: {  	s13 =	sadd.s32 $0x1388, s13;
	s11 =	sadd.s32 $0x9C40, s11  }
.LBB2_5:
0xa2: {  	_ =	sfence.sel $0x180000  }
0xa3: {  	[bflag:$0x0] =	sbarrier.arrive $0xFFFF  }
0xa4: {  	_ =	strace $0x90000047  }
0xa5: {  	s0 =	stileid.u32;
	[bflag:$0x2] =	sbarrier.arrive $0xFFFF  }
0xa6: {  	p0 =	sne.s32 s0, $0x0;
	s0 =	rddreg [dreg:$0x5]  }
0xa7: {  	s0 =	sadd.s32 @!p0 $0x100000, s0  }
0xa8: {  	[sflag:s0] =	ssyncadd.tile.s32 @!p0 $0x1;
	_ =	shalt  }
.Lfunc_end2:
_tile_overlayer_lowered:
.L_overlay_start_2:
0xa9: {  	(tag) =	ssettag $0x2  }
0xaa: {  	s0 =	rddreg [dreg:$0x0];
	s2 =	stileid.u32  }
0xab: {  	s1 =	rddreg [dreg:$0x1];
	p0 =	sne.s32 s2, $0x0  }
0xac: {  	s3 =	rddreg [dreg:$0x2];
	[bflag:$0x3] =	sbarrier.arrive $0xFFFF;
	s2 =	simm.s32 @!p0 $0x1C09  }
0xad: {  	[timem:s3], [sflag:s2] =	dma.local @!p0 [hbm:s0], s1  }
0xae: {  	s0 =	simm.s32 @!p0 $0x9  }
0xaf: {  	_ =	swait.ge @!p0 [sflag:s0], s1  }
0xb0: {  	s1 =	ssub.s32 @!p0 $0x0, s1;
	[sflag:s0] =	ssyncset.done @!p0 $0x0  }
0xb1: {  	[sflag:s0] =	ssyncadd.s32 @!p0 s1  }
0xb2: {  	[bflag:$0x3] =	sbarrier.arrive $0xFFFF  }
0xb3: {  	_ =	shalt  }

</sc_bundles>
